<compile_context>
chip_gen: v7x
topology: tpu7x:2x2x1
jax: 0.10.2.dev20260603
libtpu: 0.0.44.dev20260713+nightly
codegen_flags: <defaults>
</compile_context>

<pallas_src>
import functools

import jax
import jax.numpy as jnp
from jax import lax
from jax.experimental import pallas as pl
from jax.experimental.pallas import tpu as pltpu
from jax.experimental.pallas import tpu_sc as plsc

VOCAB = 100000
EMBED_DIM = 128
MAX_LEN = 200
BATCH = 4096
SEQ = 200

NC = 2
NS = 16
NW = NC * NS

ROWS = BATCH * SEQ
CHUNK = 128
NCHUNKS = ROWS // CHUNK
CHUNKS_PER_W = NCHUNKS // NW

NBUF = 4
LOOK = 2
NGROUPS = CHUNKS_PER_W // NBUF


def _body(tok_hbm, word_hbm, pos_hbm, out_hbm, pos_v, idx_v, rows_v,
          gs0, gs1, gs2, gs3, os0, os1, os2, os3):
    gsems = (gs0, gs1, gs2, gs3)
    osems = (os0, os1, os2, os3)
    wid = lax.axis_index("s") * NC + lax.axis_index("c")
    c0 = wid * CHUNKS_PER_W
    pltpu.sync_copy(tok_hbm.at[pl.ds(c0, CHUNKS_PER_W)], idx_v)
    pltpu.sync_copy(pos_hbm, pos_v)

    def fire_gather(c, b):
        pltpu.async_copy(word_hbm.at[idx_v.at[c]], rows_v.at[b], gsems[b])

    def wait_gather(c, b):
        pltpu.make_async_copy(word_hbm.at[idx_v.at[c]], rows_v.at[b],
                              gsems[b]).wait()

    def fire_out(c, b):
        base = (c0 + c) * CHUNK
        pltpu.async_copy(rows_v.at[b], out_hbm.at[pl.ds(base, CHUNK)],
                         osems[b])

    def wait_out(b):
        pltpu.make_async_copy(rows_v.at[b], out_hbm.at[pl.ds(0, CHUNK)],
                              osems[b]).wait()

    for j in range(LOOK):
        fire_gather(j, j)

    def group(g, _):
        for b in range(NBUF):
            c = g * NBUF + b
            nxt = c + LOOK
            bn = (b + LOOK) % NBUF
            if b < LOOK:
                @pl.when(g >= 1)
                def _wait(bn=bn):
                    wait_out(bn)
                fire_gather(nxt, bn)
            else:
                @pl.when(g <= NGROUPS - 2)
                def _wait_fire(nxt=nxt, bn=bn):
                    wait_out(bn)
                    fire_gather(nxt, bn)

            wait_gather(c, b)
            base = (c0 + c) * CHUNK

            @plsc.parallel_loop(0, CHUNK, 1, unroll=4)
            def _add(i, b=b, base=base):
                r = lax.rem(base + i, MAX_LEN)
                for cc in range(EMBED_DIM // 16):
                    sl = pl.ds(cc * 16, 16)
                    plsc.addupdate(rows_v.at[b, i, sl], pos_v[r, sl])

            fire_out(c, b)
        return 0

    lax.fori_loop(0, NGROUPS, group, 0)
    for b in range(NBUF):
        wait_out(b)


@functools.partial(jax.jit, static_argnames=())
def kernel(output, word_table, pos_table):
    tok2 = output.reshape(NCHUNKS, CHUNK)
    mesh = plsc.VectorSubcoreMesh(
        core_axis_name="c", subcore_axis_name="s", num_cores=NC, num_subcores=NS
    )
    run = pl.kernel(
        _body,
        out_type=jax.ShapeDtypeStruct((ROWS, EMBED_DIM), jnp.float32),
        mesh=mesh,
        scratch_types=[
            pltpu.VMEM((MAX_LEN, EMBED_DIM), jnp.float32),
            pltpu.VMEM((CHUNKS_PER_W, CHUNK), jnp.int32),
            pltpu.VMEM((NBUF, CHUNK, EMBED_DIM), jnp.float32),
        ] + [pltpu.SemaphoreType.DMA] * (2 * NBUF),
    )
    flat = run(tok2, word_table, pos_table)
    return flat.reshape(BATCH, SEQ, EMBED_DIM)

# --- scband reference (transcript-rebuilt; emitter-appended) ---
"""Pipeline reference for scband-token-and-position-embedding-43061342109795 (READ-ONLY COPY).

The authoritative reference and input builder live on the scoring server;
editing this copy changes nothing except your own understanding.
"""

import jax, jax.numpy as jnp
import numpy as np

VOCAB = 100000
EMBED_DIM = 128
MAX_LEN = 200
BATCH = 4096
SEQ = 200

def setup_inputs(seed: int = 0) -> dict:
    key = jax.random.key(seed)
    k1, k2, k3 = jax.random.split(key, 3)
    tokens = jax.random.randint(k1, (BATCH, SEQ), 0, VOCAB, dtype=jnp.int64 if jax.config.jax_enable_x64 else jnp.int32).astype(jnp.int32)
    word_table = jax.random.normal(k2, (VOCAB, EMBED_DIM), dtype=jnp.float32) * 0.02
    pos_table = jax.random.normal(k3, (MAX_LEN, EMBED_DIM), dtype=jnp.float32) * 0.02
    return {"output": tokens, "word_table": word_table, "pos_table": pos_table}

def reference(output, word_table, pos_table):
    N, seq_length = output.shape
    positions = jnp.arange(0, seq_length)
    out1 = jnp.take(word_table, output, axis=0)            # [N, S, D] token embedding gather
    out2 = jnp.take(pos_table, positions, axis=0)          # [S, D] position embedding gather
    return out1 + out2[None, :, :]

if __name__ == "__main__":
    import jax
    _d = setup_inputs()
    print(jax.jit(kernel)(*tuple(_d.values())))

</pallas_src>

<mosaic_0001>
#map = affine_map<(d0, d1) -> (0, 0)>
module attributes {stable_mosaic.version = 14 : i64} {
  func.func @_body(%arg0: i32, %arg1: i32, %arg2: memref<6400x128xi32, #tpu.memory_space<hbm>>, %arg3: memref<100000x128xf32, #tpu.memory_space<hbm>>, %arg4: memref<200x128xf32, #tpu.memory_space<hbm>>, %arg5: memref<819200x128xf32, #tpu.memory_space<hbm>>, %arg6: memref<200x128xf32, #tpu.memory_space<vmem>>, %arg7: memref<200x128xi32, #tpu.memory_space<vmem>>, %arg8: memref<4x128x128xf32, #tpu.memory_space<vmem>>, %arg9: memref<!tpu.dma_semaphore, #tpu.memory_space<semaphore_mem>>, %arg10: memref<!tpu.dma_semaphore, #tpu.memory_space<semaphore_mem>>, %arg11: memref<!tpu.dma_semaphore, #tpu.memory_space<semaphore_mem>>, %arg12: memref<!tpu.dma_semaphore, #tpu.memory_space<semaphore_mem>>, %arg13: memref<!tpu.dma_semaphore, #tpu.memory_space<semaphore_mem>>, %arg14: memref<!tpu.dma_semaphore, #tpu.memory_space<semaphore_mem>>, %arg15: memref<!tpu.dma_semaphore, #tpu.memory_space<semaphore_mem>>, %arg16: memref<!tpu.dma_semaphore, #tpu.memory_space<semaphore_mem>>) attributes {dimension_semantics = [#tpu.dimension_semantics<core_parallel>, #tpu.dimension_semantics<subcore_parallel>], iteration_bounds = array<i64: 2, 16>, scalar_prefetch = 0 : i64, scratch_operands = 11 : i64, tpu.core_type = #tpu.core_type<sc_vector_subcore>, window_params = [{transform_indices = #map}, {transform_indices = #map}, {transform_indices = #map}, {transform_indices = #map}]} {
    %mul3A = arith.constant 2 : i32
    %mul3A_0 = arith.muli %arg1, %mul3A : i32
    %add3A = arith.addi %mul3A_0, %arg0 : i32
    %mul3A_1 = arith.constant 200 : i32
    %mul3A_2 = arith.muli %add3A, %mul3A_1 : i32
    "tpu.region"() ({
      %run_scoped3A = tpu.sem_alloc : memref<!tpu.dma_semaphore, #tpu.memory_space<semaphore_mem>>
      %dma_start3A_91 = arith.constant 0 : i32
      %dma_start3A_92 = tpu.memref_slice %arg2[%mul3A_2, %dma_start3A_91] : memref<6400x128xi32, #tpu.memory_space<hbm>> -> memref<200x128xi32, #tpu.memory_space<hbm>>
      %dma_start3A_93 = arith.constant 0 : i32
      %dma_start3A_94 = tpu.memref_slice %arg2[%mul3A_2, %dma_start3A_93] : memref<6400x128xi32, #tpu.memory_space<hbm>> -> memref<200x128xi32, #tpu.memory_space<hbm>>
      tpu.enqueue_dma source(%dma_start3A_94 : memref<200x128xi32, #tpu.memory_space<hbm>>) target(%arg7 : memref<200x128xi32, #tpu.memory_space<vmem>>) target_semaphore(%run_scoped3A : memref<!tpu.dma_semaphore, #tpu.memory_space<semaphore_mem>>)
      %dma_wait3A_95 = arith.constant 0 : i32
      %dma_wait3A_96 = tpu.memref_slice %arg2[%mul3A_2, %dma_wait3A_95] : memref<6400x128xi32, #tpu.memory_space<hbm>> -> memref<200x128xi32, #tpu.memory_space<hbm>>
      %dma_wait3A_97 = arith.constant 0 : i32
      %dma_wait3A_98 = tpu.memref_slice %arg2[%mul3A_2, %dma_wait3A_97] : memref<6400x128xi32, #tpu.memory_space<hbm>> -> memref<200x128xi32, #tpu.memory_space<hbm>>
      tpu.wait_dma2 semaphore(%run_scoped3A : memref<!tpu.dma_semaphore, #tpu.memory_space<semaphore_mem>>) src(%dma_wait3A_98 : memref<200x128xi32, #tpu.memory_space<hbm>>) dst(%arg7 : memref<200x128xi32, #tpu.memory_space<vmem>>)
      tpu.yield
    }) : () -> ()
    "tpu.region"() ({
      %run_scoped3A = tpu.sem_alloc : memref<!tpu.dma_semaphore, #tpu.memory_space<semaphore_mem>>
      tpu.enqueue_dma source(%arg4 : memref<200x128xf32, #tpu.memory_space<hbm>>) target(%arg6 : memref<200x128xf32, #tpu.memory_space<vmem>>) target_semaphore(%run_scoped3A : memref<!tpu.dma_semaphore, #tpu.memory_space<semaphore_mem>>)
      tpu.wait_dma2 semaphore(%run_scoped3A : memref<!tpu.dma_semaphore, #tpu.memory_space<semaphore_mem>>) src(%arg4 : memref<200x128xf32, #tpu.memory_space<hbm>>) dst(%arg6 : memref<200x128xf32, #tpu.memory_space<vmem>>)
      tpu.yield
    }) : () -> ()
    %dma_start3A = arith.constant 0 : i32
    %dma_start3A_3 = arith.constant 0 : i32
    %dma_start3A_4 = arith.constant 0 : i32
    %dma_start3A_5 = arith.constant 0 : i32
    %dma_start3A_6 = tpu.memref_slice %arg8[%dma_start3A_3, %dma_start3A_4, %dma_start3A_5] : memref<4x128x128xf32, #tpu.memory_space<vmem>> -> memref<1x128x128xf32, #tpu.memory_space<vmem>>
    %dma_start3A_7 = tpu.memref_squeeze %dma_start3A_6 : memref<1x128x128xf32, #tpu.memory_space<vmem>> -> memref<128x128xf32, #tpu.memory_space<vmem>>
    %dma_start3A_8 = arith.constant 0 : i32
    %dma_start3A_9 = tpu.memref_slice %arg7[%dma_start3A, %dma_start3A_8] : memref<200x128xi32, #tpu.memory_space<vmem>> -> memref<1x128xi32, #tpu.memory_space<vmem>>
    %dma_start3A_10 = tpu.memref_squeeze %dma_start3A_9 : memref<1x128xi32, #tpu.memory_space<vmem>> -> memref<128xi32, #tpu.memory_space<vmem>>
    %dma_start3A_11 = arith.constant 0 : i32
    %dma_start3A_12 = arith.constant 0 : i32
    %dma_start3A_13 = tpu.memref_slice %arg3[%dma_start3A_11, %dma_start3A_12] : memref<100000x128xf32, #tpu.memory_space<hbm>> -> memref<100000x128xf32, #tpu.memory_space<hbm>>
    tpu.enqueue_indirect_dma source(%dma_start3A_13 : memref<100000x128xf32, #tpu.memory_space<hbm>>) target(%dma_start3A_7 : memref<128x128xf32, #tpu.memory_space<vmem>>) offsets(%dma_start3A_10 : memref<128xi32, #tpu.memory_space<vmem>>) semaphore(%arg9 : memref<!tpu.dma_semaphore, #tpu.memory_space<semaphore_mem>>)
    %dma_start3A_14 = arith.constant 1 : i32
    %dma_start3A_15 = arith.constant 1 : i32
    %dma_start3A_16 = arith.constant 0 : i32
    %dma_start3A_17 = arith.constant 0 : i32
    %dma_start3A_18 = tpu.memref_slice %arg8[%dma_start3A_15, %dma_start3A_16, %dma_start3A_17] : memref<4x128x128xf32, #tpu.memory_space<vmem>> -> memref<1x128x128xf32, #tpu.memory_space<vmem>>
    %dma_start3A_19 = tpu.memref_squeeze %dma_start3A_18 : memref<1x128x128xf32, #tpu.memory_space<vmem>> -> memref<128x128xf32, #tpu.memory_space<vmem>>
    %dma_start3A_20 = arith.constant 0 : i32
    %dma_start3A_21 = tpu.memref_slice %arg7[%dma_start3A_14, %dma_start3A_20] : memref<200x128xi32, #tpu.memory_space<vmem>> -> memref<1x128xi32, #tpu.memory_space<vmem>>
    %dma_start3A_22 = tpu.memref_squeeze %dma_start3A_21 : memref<1x128xi32, #tpu.memory_space<vmem>> -> memref<128xi32, #tpu.memory_space<vmem>>
    %dma_start3A_23 = arith.constant 0 : i32
    %dma_start3A_24 = arith.constant 0 : i32
    %dma_start3A_25 = tpu.memref_slice %arg3[%dma_start3A_23, %dma_start3A_24] : memref<100000x128xf32, #tpu.memory_space<hbm>> -> memref<100000x128xf32, #tpu.memory_space<hbm>>
    tpu.enqueue_indirect_dma source(%dma_start3A_25 : memref<100000x128xf32, #tpu.memory_space<hbm>>) target(%dma_start3A_19 : memref<128x128xf32, #tpu.memory_space<vmem>>) offsets(%dma_start3A_22 : memref<128xi32, #tpu.memory_space<vmem>>) semaphore(%arg10 : memref<!tpu.dma_semaphore, #tpu.memory_space<semaphore_mem>>)
    %scan3A = arith.constant 0 : i32
    %scan3A_26 = arith.constant 0 : i32
    %scan3A_27 = arith.constant 50 : i32
    %scan3A_28 = arith.addi %scan3A_26, %scan3A_27 : i32
    %scan3A_29 = arith.constant 1 : i32
    %scan3A_30 = scf.for %scan3A_91 = %scan3A_26 to %scan3A_28 step %scan3A_29 iter_args(%scan3A_92 = %scan3A) -> (i32)  : i32 {
      %mul3A_93 = arith.constant 4 : i32
      %mul3A_94 = arith.muli %scan3A_91, %mul3A_93 : i32
      %add3A_95 = arith.constant 0 : i32
      %add3A_96 = arith.addi %mul3A_94, %add3A_95 : i32
      %add3A_97 = arith.constant 2 : i32
      %add3A_98 = arith.addi %add3A_96, %add3A_97 : i32
      %ge3A = arith.constant 1 : i32
      %ge3A_99 = arith.cmpi sge, %scan3A_91, %ge3A : i32
      %convert_element_type3A = arith.extui %ge3A_99 : i1 to i32
      %cond3A = arith.constant 0 : i32
      %cond3A_100 = arith.cmpi ne, %convert_element_type3A, %cond3A : i32
      scf.if %cond3A_100 {
        %dma_wait3A_287 = arith.constant 2 : i32
        %dma_wait3A_288 = arith.constant 0 : i32
        %dma_wait3A_289 = arith.constant 0 : i32
        %dma_wait3A_290 = tpu.memref_slice %arg8[%dma_wait3A_287, %dma_wait3A_288, %dma_wait3A_289] : memref<4x128x128xf32, #tpu.memory_space<vmem>> -> memref<1x128x128xf32, #tpu.memory_space<vmem>>
        %dma_wait3A_291 = tpu.memref_squeeze %dma_wait3A_290 : memref<1x128x128xf32, #tpu.memory_space<vmem>> -> memref<128x128xf32, #tpu.memory_space<vmem>>
        %dma_wait3A_292 = arith.constant 0 : i32
        %dma_wait3A_293 = arith.constant 0 : i32
        %dma_wait3A_294 = tpu.memref_slice %arg5[%dma_wait3A_292, %dma_wait3A_293] : memref<819200x128xf32, #tpu.memory_space<hbm>> -> memref<128x128xf32, #tpu.memory_space<hbm>>
        %dma_wait3A_295 = arith.constant 0 : i32
        %dma_wait3A_296 = arith.constant 0 : i32
        %dma_wait3A_297 = tpu.memref_slice %arg5[%dma_wait3A_295, %dma_wait3A_296] : memref<819200x128xf32, #tpu.memory_space<hbm>> -> memref<128x128xf32, #tpu.memory_space<hbm>>
        %dma_wait3A_298 = arith.constant 0 : i32
        %dma_wait3A_299 = arith.constant 0 : i32
        %dma_wait3A_300 = tpu.memref_slice %arg8[%dma_wait3A_287, %dma_wait3A_298, %dma_wait3A_299] : memref<4x128x128xf32, #tpu.memory_space<vmem>> -> memref<1x128x128xf32, #tpu.memory_space<vmem>>
        %dma_wait3A_301 = tpu.memref_squeeze %dma_wait3A_300 : memref<1x128x128xf32, #tpu.memory_space<vmem>> -> memref<128x128xf32, #tpu.memory_space<vmem>>
        tpu.wait_dma2 semaphore(%arg15 : memref<!tpu.dma_semaphore, #tpu.memory_space<semaphore_mem>>) src(%dma_wait3A_301 : memref<128x128xf32, #tpu.memory_space<vmem>>) dst(%dma_wait3A_297 : memref<128x128xf32, #tpu.memory_space<hbm>>)
      } else {
      }
      %dma_start3A_101 = arith.constant 2 : i32
      %dma_start3A_102 = arith.constant 0 : i32
      %dma_start3A_103 = arith.constant 0 : i32
      %dma_start3A_104 = tpu.memref_slice %arg8[%dma_start3A_101, %dma_start3A_102, %dma_start3A_103] : memref<4x128x128xf32, #tpu.memory_space<vmem>> -> memref<1x128x128xf32, #tpu.memory_space<vmem>>
      %dma_start3A_105 = tpu.memref_squeeze %dma_start3A_104 : memref<1x128x128xf32, #tpu.memory_space<vmem>> -> memref<128x128xf32, #tpu.memory_space<vmem>>
      %dma_start3A_106 = arith.constant 0 : i32
      %dma_start3A_107 = tpu.memref_slice %arg7[%add3A_98, %dma_start3A_106] : memref<200x128xi32, #tpu.memory_space<vmem>> -> memref<1x128xi32, #tpu.memory_space<vmem>>
      %dma_start3A_108 = tpu.memref_squeeze %dma_start3A_107 : memref<1x128xi32, #tpu.memory_space<vmem>> -> memref<128xi32, #tpu.memory_space<vmem>>
      %dma_start3A_109 = arith.constant 0 : i32
      %dma_start3A_110 = arith.constant 0 : i32
      %dma_start3A_111 = tpu.memref_slice %arg3[%dma_start3A_109, %dma_start3A_110] : memref<100000x128xf32, #tpu.memory_space<hbm>> -> memref<100000x128xf32, #tpu.memory_space<hbm>>
      tpu.enqueue_indirect_dma source(%dma_start3A_111 : memref<100000x128xf32, #tpu.memory_space<hbm>>) target(%dma_start3A_105 : memref<128x128xf32, #tpu.memory_space<vmem>>) offsets(%dma_start3A_108 : memref<128xi32, #tpu.memory_space<vmem>>) semaphore(%arg11 : memref<!tpu.dma_semaphore, #tpu.memory_space<semaphore_mem>>)
      %dma_wait3A_112 = arith.constant 0 : i32
      %dma_wait3A_113 = arith.constant 0 : i32
      %dma_wait3A_114 = arith.constant 0 : i32
      %dma_wait3A_115 = tpu.memref_slice %arg8[%dma_wait3A_112, %dma_wait3A_113, %dma_wait3A_114] : memref<4x128x128xf32, #tpu.memory_space<vmem>> -> memref<1x128x128xf32, #tpu.memory_space<vmem>>
      %dma_wait3A_116 = tpu.memref_squeeze %dma_wait3A_115 : memref<1x128x128xf32, #tpu.memory_space<vmem>> -> memref<128x128xf32, #tpu.memory_space<vmem>>
      %dma_wait3A_117 = arith.constant 0 : i32
      %dma_wait3A_118 = tpu.memref_slice %arg7[%add3A_96, %dma_wait3A_117] : memref<200x128xi32, #tpu.memory_space<vmem>> -> memref<1x128xi32, #tpu.memory_space<vmem>>
      %dma_wait3A_119 = tpu.memref_squeeze %dma_wait3A_118 : memref<1x128xi32, #tpu.memory_space<vmem>> -> memref<128xi32, #tpu.memory_space<vmem>>
      %dma_wait3A_120 = arith.constant 0 : i32
      %dma_wait3A_121 = arith.constant 0 : i32
      %dma_wait3A_122 = tpu.memref_slice %arg3[%dma_wait3A_120, %dma_wait3A_121] : memref<100000x128xf32, #tpu.memory_space<hbm>> -> memref<100000x128xf32, #tpu.memory_space<hbm>>
      tpu.wait_indirect_dma semaphore(%arg9 : memref<!tpu.dma_semaphore, #tpu.memory_space<semaphore_mem>>) src(%dma_wait3A_122 : memref<100000x128xf32, #tpu.memory_space<hbm>>) dst(%dma_wait3A_116 : memref<128x128xf32, #tpu.memory_space<vmem>>)
      %add3A_123 = arith.addi %mul3A_2, %add3A_96 : i32
      %mul3A_124 = arith.constant 128 : i32
      %mul3A_125 = arith.muli %add3A_123, %mul3A_124 : i32
      %parallel_loop3A = arith.constant 0 : i32
      %parallel_loop3A_126 = arith.constant 128 : i32
      %parallel_loop3A_127 = arith.constant 1 : i32
      scf.for %parallel_loop3A_287 = %parallel_loop3A to %parallel_loop3A_126 step %parallel_loop3A_127  : i32 {
        %parallel_loop3A_288 = arith.addi %mul3A_125, %parallel_loop3A_287 : i32
        %parallel_loop3A_289 = arith.constant 200 : i32
        %parallel_loop3A_290 = arith.remsi %parallel_loop3A_288, %parallel_loop3A_289 : i32
        %parallel_loop3A_291 = arith.index_cast %parallel_loop3A_290 : i32 to index
        %parallel_loop3A_292 = arith.constant 0 : index
        %parallel_loop3A_293 = tpu.vector_load %arg6[%parallel_loop3A_291, %parallel_loop3A_292] {strides = array<i32>} : memref<200x128xf32, #tpu.memory_space<vmem>>, vector<1x16xf32>,
        %parallel_loop3A_294 = vector.shape_cast %parallel_loop3A_293 : vector<1x16xf32> to vector<16xf32>
        %parallel_loop3A_295 = arith.constant 0 : i32
        %parallel_loop3A_296 = arith.index_cast %parallel_loop3A_295 : i32 to index
        %parallel_loop3A_297 = arith.index_cast %parallel_loop3A_287 : i32 to index
        %parallel_loop3A_298 = arith.constant 0 : index
        %parallel_loop3A_299 = tpu.vector_load %arg8[%parallel_loop3A_296, %parallel_loop3A_297, %parallel_loop3A_298] {strides = array<i32>} : memref<4x128x128xf32, #tpu.memory_space<vmem>>, vector<1x1x16xf32>,
        %parallel_loop3A_300 = vector.shape_cast %parallel_loop3A_299 : vector<1x1x16xf32> to vector<16xf32>
        %parallel_loop3A_301 = vector.shape_cast %parallel_loop3A_294 : vector<16xf32> to vector<1x1x16xf32>
        tpu.vector_store %arg8[%parallel_loop3A_296, %parallel_loop3A_297, %parallel_loop3A_298], %parallel_loop3A_301 {add = true, strides = array<i32>} : memref<4x128x128xf32, #tpu.memory_space<vmem>>, vector<1x1x16xf32>,
        %parallel_loop3A_302 = arith.index_cast %parallel_loop3A_290 : i32 to index
        %parallel_loop3A_303 = arith.constant 16 : index
        %parallel_loop3A_304 = tpu.vector_load %arg6[%parallel_loop3A_302, %parallel_loop3A_303] {strides = array<i32>} : memref<200x128xf32, #tpu.memory_space<vmem>>, vector<1x16xf32>,
        %parallel_loop3A_305 = vector.shape_cast %parallel_loop3A_304 : vector<1x16xf32> to vector<16xf32>
        %parallel_loop3A_306 = arith.constant 0 : i32
        %parallel_loop3A_307 = arith.index_cast %parallel_loop3A_306 : i32 to index
        %parallel_loop3A_308 = arith.index_cast %parallel_loop3A_287 : i32 to index
        %parallel_loop3A_309 = arith.constant 16 : index
        %parallel_loop3A_310 = tpu.vector_load %arg8[%parallel_loop3A_307, %parallel_loop3A_308, %parallel_loop3A_309] {strides = array<i32>} : memref<4x128x128xf32, #tpu.memory_space<vmem>>, vector<1x1x16xf32>,
        %parallel_loop3A_311 = vector.shape_cast %parallel_loop3A_310 : vector<1x1x16xf32> to vector<16xf32>
        %parallel_loop3A_312 = vector.shape_cast %parallel_loop3A_305 : vector<16xf32> to vector<1x1x16xf32>
        tpu.vector_store %arg8[%parallel_loop3A_307, %parallel_loop3A_308, %parallel_loop3A_309], %parallel_loop3A_312 {add = true, strides = array<i32>} : memref<4x128x128xf32, #tpu.memory_space<vmem>>, vector<1x1x16xf32>,
        %parallel_loop3A_313 = arith.index_cast %parallel_loop3A_290 : i32 to index
        %parallel_loop3A_314 = arith.constant 32 : index
        %parallel_loop3A_315 = tpu.vector_load %arg6[%parallel_loop3A_313, %parallel_loop3A_314] {strides = array<i32>} : memref<200x128xf32, #tpu.memory_space<vmem>>, vector<1x16xf32>,
        %parallel_loop3A_316 = vector.shape_cast %parallel_loop3A_315 : vector<1x16xf32> to vector<16xf32>
        %parallel_loop3A_317 = arith.constant 0 : i32
        %parallel_loop3A_318 = arith.index_cast %parallel_loop3A_317 : i32 to index
        %parallel_loop3A_319 = arith.index_cast %parallel_loop3A_287 : i32 to index
        %parallel_loop3A_320 = arith.constant 32 : index
        %parallel_loop3A_321 = tpu.vector_load %arg8[%parallel_loop3A_318, %parallel_loop3A_319, %parallel_loop3A_320] {strides = array<i32>} : memref<4x128x128xf32, #tpu.memory_space<vmem>>, vector<1x1x16xf32>,
        %parallel_loop3A_322 = vector.shape_cast %parallel_loop3A_321 : vector<1x1x16xf32> to vector<16xf32>
        %parallel_loop3A_323 = vector.shape_cast %parallel_loop3A_316 : vector<16xf32> to vector<1x1x16xf32>
        tpu.vector_store %arg8[%parallel_loop3A_318, %parallel_loop3A_319, %parallel_loop3A_320], %parallel_loop3A_323 {add = true, strides = array<i32>} : memref<4x128x128xf32, #tpu.memory_space<vmem>>, vector<1x1x16xf32>,
        %parallel_loop3A_324 = arith.index_cast %parallel_loop3A_290 : i32 to index
        %parallel_loop3A_325 = arith.constant 48 : index
        %parallel_loop3A_326 = tpu.vector_load %arg6[%parallel_loop3A_324, %parallel_loop3A_325] {strides = array<i32>} : memref<200x128xf32, #tpu.memory_space<vmem>>, vector<1x16xf32>,
        %parallel_loop3A_327 = vector.shape_cast %parallel_loop3A_326 : vector<1x16xf32> to vector<16xf32>
        %parallel_loop3A_328 = arith.constant 0 : i32
        %parallel_loop3A_329 = arith.index_cast %parallel_loop3A_328 : i32 to index
        %parallel_loop3A_330 = arith.index_cast %parallel_loop3A_287 : i32 to index
        %parallel_loop3A_331 = arith.constant 48 : index
        %parallel_loop3A_332 = tpu.vector_load %arg8[%parallel_loop3A_329, %parallel_loop3A_330, %parallel_loop3A_331] {strides = array<i32>} : memref<4x128x128xf32, #tpu.memory_space<vmem>>, vector<1x1x16xf32>,
        %parallel_loop3A_333 = vector.shape_cast %parallel_loop3A_332 : vector<1x1x16xf32> to vector<16xf32>
        %parallel_loop3A_334 = vector.shape_cast %parallel_loop3A_327 : vector<16xf32> to vector<1x1x16xf32>
        tpu.vector_store %arg8[%parallel_loop3A_329, %parallel_loop3A_330, %parallel_loop3A_331], %parallel_loop3A_334 {add = true, strides = array<i32>} : memref<4x128x128xf32, #tpu.memory_space<vmem>>, vector<1x1x16xf32>,
        %parallel_loop3A_335 = arith.index_cast %parallel_loop3A_290 : i32 to index
        %parallel_loop3A_336 = arith.constant 64 : index
        %parallel_loop3A_337 = tpu.vector_load %arg6[%parallel_loop3A_335, %parallel_loop3A_336] {strides = array<i32>} : memref<200x128xf32, #tpu.memory_space<vmem>>, vector<1x16xf32>,
        %parallel_loop3A_338 = vector.shape_cast %parallel_loop3A_337 : vector<1x16xf32> to vector<16xf32>
        %parallel_loop3A_339 = arith.constant 0 : i32
        %parallel_loop3A_340 = arith.index_cast %parallel_loop3A_339 : i32 to index
        %parallel_loop3A_341 = arith.index_cast %parallel_loop3A_287 : i32 to index
        %parallel_loop3A_342 = arith.constant 64 : index
        %parallel_loop3A_343 = tpu.vector_load %arg8[%parallel_loop3A_340, %parallel_loop3A_341, %parallel_loop3A_342] {strides = array<i32>} : memref<4x128x128xf32, #tpu.memory_space<vmem>>, vector<1x1x16xf32>,
        %parallel_loop3A_344 = vector.shape_cast %parallel_loop3A_343 : vector<1x1x16xf32> to vector<16xf32>
        %parallel_loop3A_345 = vector.shape_cast %parallel_loop3A_338 : vector<16xf32> to vector<1x1x16xf32>
        tpu.vector_store %arg8[%parallel_loop3A_340, %parallel_loop3A_341, %parallel_loop3A_342], %parallel_loop3A_345 {add = true, strides = array<i32>} : memref<4x128x128xf32, #tpu.memory_space<vmem>>, vector<1x1x16xf32>,
        %parallel_loop3A_346 = arith.index_cast %parallel_loop3A_290 : i32 to index
        %parallel_loop3A_347 = arith.constant 80 : index
        %parallel_loop3A_348 = tpu.vector_load %arg6[%parallel_loop3A_346, %parallel_loop3A_347] {strides = array<i32>} : memref<200x128xf32, #tpu.memory_space<vmem>>, vector<1x16xf32>,
        %parallel_loop3A_349 = vector.shape_cast %parallel_loop3A_348 : vector<1x16xf32> to vector<16xf32>
        %parallel_loop3A_350 = arith.constant 0 : i32
        %parallel_loop3A_351 = arith.index_cast %parallel_loop3A_350 : i32 to index
        %parallel_loop3A_352 = arith.index_cast %parallel_loop3A_287 : i32 to index
        %parallel_loop3A_353 = arith.constant 80 : index
        %parallel_loop3A_354 = tpu.vector_load %arg8[%parallel_loop3A_351, %parallel_loop3A_352, %parallel_loop3A_353] {strides = array<i32>} : memref<4x128x128xf32, #tpu.memory_space<vmem>>, vector<1x1x16xf32>,
        %parallel_loop3A_355 = vector.shape_cast %parallel_loop3A_354 : vector<1x1x16xf32> to vector<16xf32>
        %parallel_loop3A_356 = vector.shape_cast %parallel_loop3A_349 : vector<16xf32> to vector<1x1x16xf32>
        tpu.vector_store %arg8[%parallel_loop3A_351, %parallel_loop3A_352, %parallel_loop3A_353], %parallel_loop3A_356 {add = true, strides = array<i32>} : memref<4x128x128xf32, #tpu.memory_space<vmem>>, vector<1x1x16xf32>,
        %parallel_loop3A_357 = arith.index_cast %parallel_loop3A_290 : i32 to index
        %parallel_loop3A_358 = arith.constant 96 : index
        %parallel_loop3A_359 = tpu.vector_load %arg6[%parallel_loop3A_357, %parallel_loop3A_358] {strides = array<i32>} : memref<200x128xf32, #tpu.memory_space<vmem>>, vector<1x16xf32>,
        %parallel_loop3A_360 = vector.shape_cast %parallel_loop3A_359 : vector<1x16xf32> to vector<16xf32>
        %parallel_loop3A_361 = arith.constant 0 : i32
        %parallel_loop3A_362 = arith.index_cast %parallel_loop3A_361 : i32 to index
        %parallel_loop3A_363 = arith.index_cast %parallel_loop3A_287 : i32 to index
        %parallel_loop3A_364 = arith.constant 96 : index
        %parallel_loop3A_365 = tpu.vector_load %arg8[%parallel_loop3A_362, %parallel_loop3A_363, %parallel_loop3A_364] {strides = array<i32>} : memref<4x128x128xf32, #tpu.memory_space<vmem>>, vector<1x1x16xf32>,
        %parallel_loop3A_366 = vector.shape_cast %parallel_loop3A_365 : vector<1x1x16xf32> to vector<16xf32>
        %parallel_loop3A_367 = vector.shape_cast %parallel_loop3A_360 : vector<16xf32> to vector<1x1x16xf32>
        tpu.vector_store %arg8[%parallel_loop3A_362, %parallel_loop3A_363, %parallel_loop3A_364], %parallel_loop3A_367 {add = true, strides = array<i32>} : memref<4x128x128xf32, #tpu.memory_space<vmem>>, vector<1x1x16xf32>,
        %parallel_loop3A_368 = arith.index_cast %parallel_loop3A_290 : i32 to index
        %parallel_loop3A_369 = arith.constant 112 : index
        %parallel_loop3A_370 = tpu.vector_load %arg6[%parallel_loop3A_368, %parallel_loop3A_369] {strides = array<i32>} : memref<200x128xf32, #tpu.memory_space<vmem>>, vector<1x16xf32>,
        %parallel_loop3A_371 = vector.shape_cast %parallel_loop3A_370 : vector<1x16xf32> to vector<16xf32>
        %parallel_loop3A_372 = arith.constant 0 : i32
        %parallel_loop3A_373 = arith.index_cast %parallel_loop3A_372 : i32 to index
        %parallel_loop3A_374 = arith.index_cast %parallel_loop3A_287 : i32 to index
        %parallel_loop3A_375 = arith.constant 112 : index
        %parallel_loop3A_376 = tpu.vector_load %arg8[%parallel_loop3A_373, %parallel_loop3A_374, %parallel_loop3A_375] {strides = array<i32>} : memref<4x128x128xf32, #tpu.memory_space<vmem>>, vector<1x1x16xf32>,
        %parallel_loop3A_377 = vector.shape_cast %parallel_loop3A_376 : vector<1x1x16xf32> to vector<16xf32>
        %parallel_loop3A_378 = vector.shape_cast %parallel_loop3A_371 : vector<16xf32> to vector<1x1x16xf32>
        tpu.vector_store %arg8[%parallel_loop3A_373, %parallel_loop3A_374, %parallel_loop3A_375], %parallel_loop3A_378 {add = true, strides = array<i32>} : memref<4x128x128xf32, #tpu.memory_space<vmem>>, vector<1x1x16xf32>,
      } {sc.loop_unroll_factor = 4 : i64, sc.parallel_access}
      %add3A_128 = arith.addi %mul3A_2, %add3A_96 : i32
      %mul3A_129 = arith.constant 128 : i32
      %mul3A_130 = arith.muli %add3A_128, %mul3A_129 : i32
      %dma_start3A_131 = arith.constant 0 : i32
      %dma_start3A_132 = arith.constant 0 : i32
      %dma_start3A_133 = arith.constant 0 : i32
      %dma_start3A_134 = tpu.memref_slice %arg8[%dma_start3A_131, %dma_start3A_132, %dma_start3A_133] : memref<4x128x128xf32, #tpu.memory_space<vmem>> -> memref<1x128x128xf32, #tpu.memory_space<vmem>>
      %dma_start3A_135 = tpu.memref_squeeze %dma_start3A_134 : memref<1x128x128xf32, #tpu.memory_space<vmem>> -> memref<128x128xf32, #tpu.memory_space<vmem>>
      %dma_start3A_136 = arith.constant 0 : i32
      %dma_start3A_137 = tpu.memref_slice %arg5[%mul3A_130, %dma_start3A_136] : memref<819200x128xf32, #tpu.memory_space<hbm>> -> memref<128x128xf32, #tpu.memory_space<hbm>>
      %dma_start3A_138 = arith.constant 0 : i32
      %dma_start3A_139 = tpu.memref_slice %arg5[%mul3A_130, %dma_start3A_138] : memref<819200x128xf32, #tpu.memory_space<hbm>> -> memref<128x128xf32, #tpu.memory_space<hbm>>
      %dma_start3A_140 = arith.constant 0 : i32
      %dma_start3A_141 = arith.constant 0 : i32
      %dma_start3A_142 = tpu.memref_slice %arg8[%dma_start3A_131, %dma_start3A_140, %dma_start3A_141] : memref<4x128x128xf32, #tpu.memory_space<vmem>> -> memref<1x128x128xf32, #tpu.memory_space<vmem>>
      %dma_start3A_143 = tpu.memref_squeeze %dma_start3A_142 : memref<1x128x128xf32, #tpu.memory_space<vmem>> -> memref<128x128xf32, #tpu.memory_space<vmem>>
      tpu.enqueue_dma source(%dma_start3A_143 : memref<128x128xf32, #tpu.memory_space<vmem>>) target(%dma_start3A_139 : memref<128x128xf32, #tpu.memory_space<hbm>>) target_semaphore(%arg13 : memref<!tpu.dma_semaphore, #tpu.memory_space<semaphore_mem>>)
      %mul3A_144 = arith.constant 4 : i32
      %mul3A_145 = arith.muli %scan3A_91, %mul3A_144 : i32
      %add3A_146 = arith.constant 1 : i32
      %add3A_147 = arith.addi %mul3A_145, %add3A_146 : i32
      %add3A_148 = arith.constant 2 : i32
      %add3A_149 = arith.addi %add3A_147, %add3A_148 : i32
      %ge3A_150 = arith.constant 1 : i32
      %ge3A_151 = arith.cmpi sge, %scan3A_91, %ge3A_150 : i32
      %convert_element_type3A_152 = arith.extui %ge3A_151 : i1 to i32
      %cond3A_153 = arith.constant 0 : i32
      %cond3A_154 = arith.cmpi ne, %convert_element_type3A_152, %cond3A_153 : i32
      scf.if %cond3A_154 {
        %dma_wait3A_287 = arith.constant 3 : i32
        %dma_wait3A_288 = arith.constant 0 : i32
        %dma_wait3A_289 = arith.constant 0 : i32
        %dma_wait3A_290 = tpu.memref_slice %arg8[%dma_wait3A_287, %dma_wait3A_288, %dma_wait3A_289] : memref<4x128x128xf32, #tpu.memory_space<vmem>> -> memref<1x128x128xf32, #tpu.memory_space<vmem>>
        %dma_wait3A_291 = tpu.memref_squeeze %dma_wait3A_290 : memref<1x128x128xf32, #tpu.memory_space<vmem>> -> memref<128x128xf32, #tpu.memory_space<vmem>>
        %dma_wait3A_292 = arith.constant 0 : i32
        %dma_wait3A_293 = arith.constant 0 : i32
        %dma_wait3A_294 = tpu.memref_slice %arg5[%dma_wait3A_292, %dma_wait3A_293] : memref<819200x128xf32, #tpu.memory_space<hbm>> -> memref<128x128xf32, #tpu.memory_space<hbm>>
        %dma_wait3A_295 = arith.constant 0 : i32
        %dma_wait3A_296 = arith.constant 0 : i32
        %dma_wait3A_297 = tpu.memref_slice %arg5[%dma_wait3A_295, %dma_wait3A_296] : memref<819200x128xf32, #tpu.memory_space<hbm>> -> memref<128x128xf32, #tpu.memory_space<hbm>>
        %dma_wait3A_298 = arith.constant 0 : i32
        %dma_wait3A_299 = arith.constant 0 : i32
        %dma_wait3A_300 = tpu.memref_slice %arg8[%dma_wait3A_287, %dma_wait3A_298, %dma_wait3A_299] : memref<4x128x128xf32, #tpu.memory_space<vmem>> -> memref<1x128x128xf32, #tpu.memory_space<vmem>>
        %dma_wait3A_301 = tpu.memref_squeeze %dma_wait3A_300 : memref<1x128x128xf32, #tpu.memory_space<vmem>> -> memref<128x128xf32, #tpu.memory_space<vmem>>
        tpu.wait_dma2 semaphore(%arg16 : memref<!tpu.dma_semaphore, #tpu.memory_space<semaphore_mem>>) src(%dma_wait3A_301 : memref<128x128xf32, #tpu.memory_space<vmem>>) dst(%dma_wait3A_297 : memref<128x128xf32, #tpu.memory_space<hbm>>)
      } else {
      }
      %dma_start3A_155 = arith.constant 3 : i32
      %dma_start3A_156 = arith.constant 0 : i32
      %dma_start3A_157 = arith.constant 0 : i32
      %dma_start3A_158 = tpu.memref_slice %arg8[%dma_start3A_155, %dma_start3A_156, %dma_start3A_157] : memref<4x128x128xf32, #tpu.memory_space<vmem>> -> memref<1x128x128xf32, #tpu.memory_space<vmem>>
      %dma_start3A_159 = tpu.memref_squeeze %dma_start3A_158 : memref<1x128x128xf32, #tpu.memory_space<vmem>> -> memref<128x128xf32, #tpu.memory_space<vmem>>
      %dma_start3A_160 = arith.constant 0 : i32
      %dma_start3A_161 = tpu.memref_slice %arg7[%add3A_149, %dma_start3A_160] : memref<200x128xi32, #tpu.memory_space<vmem>> -> memref<1x128xi32, #tpu.memory_space<vmem>>
      %dma_start3A_162 = tpu.memref_squeeze %dma_start3A_161 : memref<1x128xi32, #tpu.memory_space<vmem>> -> memref<128xi32, #tpu.memory_space<vmem>>
      %dma_start3A_163 = arith.constant 0 : i32
      %dma_start3A_164 = arith.constant 0 : i32
      %dma_start3A_165 = tpu.memref_slice %arg3[%dma_start3A_163, %dma_start3A_164] : memref<100000x128xf32, #tpu.memory_space<hbm>> -> memref<100000x128xf32, #tpu.memory_space<hbm>>
      tpu.enqueue_indirect_dma source(%dma_start3A_165 : memref<100000x128xf32, #tpu.memory_space<hbm>>) target(%dma_start3A_159 : memref<128x128xf32, #tpu.memory_space<vmem>>) offsets(%dma_start3A_162 : memref<128xi32, #tpu.memory_space<vmem>>) semaphore(%arg12 : memref<!tpu.dma_semaphore, #tpu.memory_space<semaphore_mem>>)
      %dma_wait3A_166 = arith.constant 1 : i32
      %dma_wait3A_167 = arith.constant 0 : i32
      %dma_wait3A_168 = arith.constant 0 : i32
      %dma_wait3A_169 = tpu.memref_slice %arg8[%dma_wait3A_166, %dma_wait3A_167, %dma_wait3A_168] : memref<4x128x128xf32, #tpu.memory_space<vmem>> -> memref<1x128x128xf32, #tpu.memory_space<vmem>>
      %dma_wait3A_170 = tpu.memref_squeeze %dma_wait3A_169 : memref<1x128x128xf32, #tpu.memory_space<vmem>> -> memref<128x128xf32, #tpu.memory_space<vmem>>
      %dma_wait3A_171 = arith.constant 0 : i32
      %dma_wait3A_172 = tpu.memref_slice %arg7[%add3A_147, %dma_wait3A_171] : memref<200x128xi32, #tpu.memory_space<vmem>> -> memref<1x128xi32, #tpu.memory_space<vmem>>
      %dma_wait3A_173 = tpu.memref_squeeze %dma_wait3A_172 : memref<1x128xi32, #tpu.memory_space<vmem>> -> memref<128xi32, #tpu.memory_space<vmem>>
      %dma_wait3A_174 = arith.constant 0 : i32
      %dma_wait3A_175 = arith.constant 0 : i32
      %dma_wait3A_176 = tpu.memref_slice %arg3[%dma_wait3A_174, %dma_wait3A_175] : memref<100000x128xf32, #tpu.memory_space<hbm>> -> memref<100000x128xf32, #tpu.memory_space<hbm>>
      tpu.wait_indirect_dma semaphore(%arg10 : memref<!tpu.dma_semaphore, #tpu.memory_space<semaphore_mem>>) src(%dma_wait3A_176 : memref<100000x128xf32, #tpu.memory_space<hbm>>) dst(%dma_wait3A_170 : memref<128x128xf32, #tpu.memory_space<vmem>>)
      %add3A_177 = arith.addi %mul3A_2, %add3A_147 : i32
      %mul3A_178 = arith.constant 128 : i32
      %mul3A_179 = arith.muli %add3A_177, %mul3A_178 : i32
      %parallel_loop3A_180 = arith.constant 0 : i32
      %parallel_loop3A_181 = arith.constant 128 : i32
      %parallel_loop3A_182 = arith.constant 1 : i32
      scf.for %parallel_loop3A_287 = %parallel_loop3A_180 to %parallel_loop3A_181 step %parallel_loop3A_182  : i32 {
        %parallel_loop3A_288 = arith.addi %mul3A_179, %parallel_loop3A_287 : i32
        %parallel_loop3A_289 = arith.constant 200 : i32
        %parallel_loop3A_290 = arith.remsi %parallel_loop3A_288, %parallel_loop3A_289 : i32
        %parallel_loop3A_291 = arith.index_cast %parallel_loop3A_290 : i32 to index
        %parallel_loop3A_292 = arith.constant 0 : index
        %parallel_loop3A_293 = tpu.vector_load %arg6[%parallel_loop3A_291, %parallel_loop3A_292] {strides = array<i32>} : memref<200x128xf32, #tpu.memory_space<vmem>>, vector<1x16xf32>,
        %parallel_loop3A_294 = vector.shape_cast %parallel_loop3A_293 : vector<1x16xf32> to vector<16xf32>
        %parallel_loop3A_295 = arith.constant 1 : i32
        %parallel_loop3A_296 = arith.index_cast %parallel_loop3A_295 : i32 to index
        %parallel_loop3A_297 = arith.index_cast %parallel_loop3A_287 : i32 to index
        %parallel_loop3A_298 = arith.constant 0 : index
        %parallel_loop3A_299 = tpu.vector_load %arg8[%parallel_loop3A_296, %parallel_loop3A_297, %parallel_loop3A_298] {strides = array<i32>} : memref<4x128x128xf32, #tpu.memory_space<vmem>>, vector<1x1x16xf32>,
        %parallel_loop3A_300 = vector.shape_cast %parallel_loop3A_299 : vector<1x1x16xf32> to vector<16xf32>
        %parallel_loop3A_301 = vector.shape_cast %parallel_loop3A_294 : vector<16xf32> to vector<1x1x16xf32>
        tpu.vector_store %arg8[%parallel_loop3A_296, %parallel_loop3A_297, %parallel_loop3A_298], %parallel_loop3A_301 {add = true, strides = array<i32>} : memref<4x128x128xf32, #tpu.memory_space<vmem>>, vector<1x1x16xf32>,
        %parallel_loop3A_302 = arith.index_cast %parallel_loop3A_290 : i32 to index
        %parallel_loop3A_303 = arith.constant 16 : index
        %parallel_loop3A_304 = tpu.vector_load %arg6[%parallel_loop3A_302, %parallel_loop3A_303] {strides = array<i32>} : memref<200x128xf32, #tpu.memory_space<vmem>>, vector<1x16xf32>,
        %parallel_loop3A_305 = vector.shape_cast %parallel_loop3A_304 : vector<1x16xf32> to vector<16xf32>
        %parallel_loop3A_306 = arith.constant 1 : i32
        %parallel_loop3A_307 = arith.index_cast %parallel_loop3A_306 : i32 to index
        %parallel_loop3A_308 = arith.index_cast %parallel_loop3A_287 : i32 to index
        %parallel_loop3A_309 = arith.constant 16 : index
        %parallel_loop3A_310 = tpu.vector_load %arg8[%parallel_loop3A_307, %parallel_loop3A_308, %parallel_loop3A_309] {strides = array<i32>} : memref<4x128x128xf32, #tpu.memory_space<vmem>>, vector<1x1x16xf32>,
        %parallel_loop3A_311 = vector.shape_cast %parallel_loop3A_310 : vector<1x1x16xf32> to vector<16xf32>
        %parallel_loop3A_312 = vector.shape_cast %parallel_loop3A_305 : vector<16xf32> to vector<1x1x16xf32>
        tpu.vector_store %arg8[%parallel_loop3A_307, %parallel_loop3A_308, %parallel_loop3A_309], %parallel_loop3A_312 {add = true, strides = array<i32>} : memref<4x128x128xf32, #tpu.memory_space<vmem>>, vector<1x1x16xf32>,
        %parallel_loop3A_313 = arith.index_cast %parallel_loop3A_290 : i32 to index
        %parallel_loop3A_314 = arith.constant 32 : index
        %parallel_loop3A_315 = tpu.vector_load %arg6[%parallel_loop3A_313, %parallel_loop3A_314] {strides = array<i32>} : memref<200x128xf32, #tpu.memory_space<vmem>>, vector<1x16xf32>,
        %parallel_loop3A_316 = vector.shape_cast %parallel_loop3A_315 : vector<1x16xf32> to vector<16xf32>
        %parallel_loop3A_317 = arith.constant 1 : i32
        %parallel_loop3A_318 = arith.index_cast %parallel_loop3A_317 : i32 to index
        %parallel_loop3A_319 = arith.index_cast %parallel_loop3A_287 : i32 to index
        %parallel_loop3A_320 = arith.constant 32 : index
        %parallel_loop3A_321 = tpu.vector_load %arg8[%parallel_loop3A_318, %parallel_loop3A_319, %parallel_loop3A_320] {strides = array<i32>} : memref<4x128x128xf32, #tpu.memory_space<vmem>>, vector<1x1x16xf32>,
        %parallel_loop3A_322 = vector.shape_cast %parallel_loop3A_321 : vector<1x1x16xf32> to vector<16xf32>
        %parallel_loop3A_323 = vector.shape_cast %parallel_loop3A_316 : vector<16xf32> to vector<1x1x16xf32>
        tpu.vector_store %arg8[%parallel_loop3A_318, %parallel_loop3A_319, %parallel_loop3A_320], %parallel_loop3A_323 {add = true, strides = array<i32>} : memref<4x128x128xf32, #tpu.memory_space<vmem>>, vector<1x1x16xf32>,
        %parallel_loop3A_324 = arith.index_cast %parallel_loop3A_290 : i32 to index
        %parallel_loop3A_325 = arith.constant 48 : index
        %parallel_loop3A_326 = tpu.vector_load %arg6[%parallel_loop3A_324, %parallel_loop3A_325] {strides = array<i32>} : memref<200x128xf32, #tpu.memory_space<vmem>>, vector<1x16xf32>,
        %parallel_loop3A_327 = vector.shape_cast %parallel_loop3A_326 : vector<1x16xf32> to vector<16xf32>
        %parallel_loop3A_328 = arith.constant 1 : i32
        %parallel_loop3A_329 = arith.index_cast %parallel_loop3A_328 : i32 to index
        %parallel_loop3A_330 = arith.index_cast %parallel_loop3A_287 : i32 to index
        %parallel_loop3A_331 = arith.constant 48 : index
        %parallel_loop3A_332 = tpu.vector_load %arg8[%parallel_loop3A_329, %parallel_loop3A_330, %parallel_loop3A_331] {strides = array<i32>} : memref<4x128x128xf32, #tpu.memory_space<vmem>>, vector<1x1x16xf32>,
        %parallel_loop3A_333 = vector.shape_cast %parallel_loop3A_332 : vector<1x1x16xf32> to vector<16xf32>
        %parallel_loop3A_334 = vector.shape_cast %parallel_loop3A_327 : vector<16xf32> to vector<1x1x16xf32>
        tpu.vector_store %arg8[%parallel_loop3A_329, %parallel_loop3A_330, %parallel_loop3A_331], %parallel_loop3A_334 {add = true, strides = array<i32>} : memref<4x128x128xf32, #tpu.memory_space<vmem>>, vector<1x1x16xf32>,
        %parallel_loop3A_335 = arith.index_cast %parallel_loop3A_290 : i32 to index
        %parallel_loop3A_336 = arith.constant 64 : index
        %parallel_loop3A_337 = tpu.vector_load %arg6[%parallel_loop3A_335, %parallel_loop3A_336] {strides = array<i32>} : memref<200x128xf32, #tpu.memory_space<vmem>>, vector<1x16xf32>,
        %parallel_loop3A_338 = vector.shape_cast %parallel_loop3A_337 : vector<1x16xf32> to vector<16xf32>
        %parallel_loop3A_339 = arith.constant 1 : i32
        %parallel_loop3A_340 = arith.index_cast %parallel_loop3A_339 : i32 to index
        %parallel_loop3A_341 = arith.index_cast %parallel_loop3A_287 : i32 to index
        %parallel_loop3A_342 = arith.constant 64 : index
        %parallel_loop3A_343 = tpu.vector_load %arg8[%parallel_loop3A_340, %parallel_loop3A_341, %parallel_loop3A_342] {strides = array<i32>} : memref<4x128x128xf32, #tpu.memory_space<vmem>>, vector<1x1x16xf32>,
        %parallel_loop3A_344 = vector.shape_cast %parallel_loop3A_343 : vector<1x1x16xf32> to vector<16xf32>
        %parallel_loop3A_345 = vector.shape_cast %parallel_loop3A_338 : vector<16xf32> to vector<1x1x16xf32>
        tpu.vector_store %arg8[%parallel_loop3A_340, %parallel_loop3A_341, %parallel_loop3A_342], %parallel_loop3A_345 {add = true, strides = array<i32>} : memref<4x128x128xf32, #tpu.memory_space<vmem>>, vector<1x1x16xf32>,
        %parallel_loop3A_346 = arith.index_cast %parallel_loop3A_290 : i32 to index
        %parallel_loop3A_347 = arith.constant 80 : index
        %parallel_loop3A_348 = tpu.vector_load %arg6[%parallel_loop3A_346, %parallel_loop3A_347] {strides = array<i32>} : memref<200x128xf32, #tpu.memory_space<vmem>>, vector<1x16xf32>,
        %parallel_loop3A_349 = vector.shape_cast %parallel_loop3A_348 : vector<1x16xf32> to vector<16xf32>
        %parallel_loop3A_350 = arith.constant 1 : i32
        %parallel_loop3A_351 = arith.index_cast %parallel_loop3A_350 : i32 to index
        %parallel_loop3A_352 = arith.index_cast %parallel_loop3A_287 : i32 to index
        %parallel_loop3A_353 = arith.constant 80 : index
        %parallel_loop3A_354 = tpu.vector_load %arg8[%parallel_loop3A_351, %parallel_loop3A_352, %parallel_loop3A_353] {strides = array<i32>} : memref<4x128x128xf32, #tpu.memory_space<vmem>>, vector<1x1x16xf32>,
        %parallel_loop3A_355 = vector.shape_cast %parallel_loop3A_354 : vector<1x1x16xf32> to vector<16xf32>
        %parallel_loop3A_356 = vector.shape_cast %parallel_loop3A_349 : vector<16xf32> to vector<1x1x16xf32>
        tpu.vector_store %arg8[%parallel_loop3A_351, %parallel_loop3A_352, %parallel_loop3A_353], %parallel_loop3A_356 {add = true, strides = array<i32>} : memref<4x128x128xf32, #tpu.memory_space<vmem>>, vector<1x1x16xf32>,
        %parallel_loop3A_357 = arith.index_cast %parallel_loop3A_290 : i32 to index
        %parallel_loop3A_358 = arith.constant 96 : index
        %parallel_loop3A_359 = tpu.vector_load %arg6[%parallel_loop3A_357, %parallel_loop3A_358] {strides = array<i32>} : memref<200x128xf32, #tpu.memory_space<vmem>>, vector<1x16xf32>,
        %parallel_loop3A_360 = vector.shape_cast %parallel_loop3A_359 : vector<1x16xf32> to vector<16xf32>
        %parallel_loop3A_361 = arith.constant 1 : i32
        %parallel_loop3A_362 = arith.index_cast %parallel_loop3A_361 : i32 to index
        %parallel_loop3A_363 = arith.index_cast %parallel_loop3A_287 : i32 to index
        %parallel_loop3A_364 = arith.constant 96 : index
        %parallel_loop3A_365 = tpu.vector_load %arg8[%parallel_loop3A_362, %parallel_loop3A_363, %parallel_loop3A_364] {strides = array<i32>} : memref<4x128x128xf32, #tpu.memory_space<vmem>>, vector<1x1x16xf32>,
        %parallel_loop3A_366 = vector.shape_cast %parallel_loop3A_365 : vector<1x1x16xf32> to vector<16xf32>
        %parallel_loop3A_367 = vector.shape_cast %parallel_loop3A_360 : vector<16xf32> to vector<1x1x16xf32>
        tpu.vector_store %arg8[%parallel_loop3A_362, %parallel_loop3A_363, %parallel_loop3A_364], %parallel_loop3A_367 {add = true, strides = array<i32>} : memref<4x128x128xf32, #tpu.memory_space<vmem>>, vector<1x1x16xf32>,
        %parallel_loop3A_368 = arith.index_cast %parallel_loop3A_290 : i32 to index
        %parallel_loop3A_369 = arith.constant 112 : index
        %parallel_loop3A_370 = tpu.vector_load %arg6[%parallel_loop3A_368, %parallel_loop3A_369] {strides = array<i32>} : memref<200x128xf32, #tpu.memory_space<vmem>>, vector<1x16xf32>,
        %parallel_loop3A_371 = vector.shape_cast %parallel_loop3A_370 : vector<1x16xf32> to vector<16xf32>
        %parallel_loop3A_372 = arith.constant 1 : i32
        %parallel_loop3A_373 = arith.index_cast %parallel_loop3A_372 : i32 to index
        %parallel_loop3A_374 = arith.index_cast %parallel_loop3A_287 : i32 to index
        %parallel_loop3A_375 = arith.constant 112 : index
        %parallel_loop3A_376 = tpu.vector_load %arg8[%parallel_loop3A_373, %parallel_loop3A_374, %parallel_loop3A_375] {strides = array<i32>} : memref<4x128x128xf32, #tpu.memory_space<vmem>>, vector<1x1x16xf32>,
        %parallel_loop3A_377 = vector.shape_cast %parallel_loop3A_376 : vector<1x1x16xf32> to vector<16xf32>
        %parallel_loop3A_378 = vector.shape_cast %parallel_loop3A_371 : vector<16xf32> to vector<1x1x16xf32>
        tpu.vector_store %arg8[%parallel_loop3A_373, %parallel_loop3A_374, %parallel_loop3A_375], %parallel_loop3A_378 {add = true, strides = array<i32>} : memref<4x128x128xf32, #tpu.memory_space<vmem>>, vector<1x1x16xf32>,
      } {sc.loop_unroll_factor = 4 : i64, sc.parallel_access}
      %add3A_183 = arith.addi %mul3A_2, %add3A_147 : i32
      %mul3A_184 = arith.constant 128 : i32
      %mul3A_185 = arith.muli %add3A_183, %mul3A_184 : i32
      %dma_start3A_186 = arith.constant 1 : i32
      %dma_start3A_187 = arith.constant 0 : i32
      %dma_start3A_188 = arith.constant 0 : i32
      %dma_start3A_189 = tpu.memref_slice %arg8[%dma_start3A_186, %dma_start3A_187, %dma_start3A_188] : memref<4x128x128xf32, #tpu.memory_space<vmem>> -> memref<1x128x128xf32, #tpu.memory_space<vmem>>
      %dma_start3A_190 = tpu.memref_squeeze %dma_start3A_189 : memref<1x128x128xf32, #tpu.memory_space<vmem>> -> memref<128x128xf32, #tpu.memory_space<vmem>>
      %dma_start3A_191 = arith.constant 0 : i32
      %dma_start3A_192 = tpu.memref_slice %arg5[%mul3A_185, %dma_start3A_191] : memref<819200x128xf32, #tpu.memory_space<hbm>> -> memref<128x128xf32, #tpu.memory_space<hbm>>
      %dma_start3A_193 = arith.constant 0 : i32
      %dma_start3A_194 = tpu.memref_slice %arg5[%mul3A_185, %dma_start3A_193] : memref<819200x128xf32, #tpu.memory_space<hbm>> -> memref<128x128xf32, #tpu.memory_space<hbm>>
      %dma_start3A_195 = arith.constant 0 : i32
      %dma_start3A_196 = arith.constant 0 : i32
      %dma_start3A_197 = tpu.memref_slice %arg8[%dma_start3A_186, %dma_start3A_195, %dma_start3A_196] : memref<4x128x128xf32, #tpu.memory_space<vmem>> -> memref<1x128x128xf32, #tpu.memory_space<vmem>>
      %dma_start3A_198 = tpu.memref_squeeze %dma_start3A_197 : memref<1x128x128xf32, #tpu.memory_space<vmem>> -> memref<128x128xf32, #tpu.memory_space<vmem>>
      tpu.enqueue_dma source(%dma_start3A_198 : memref<128x128xf32, #tpu.memory_space<vmem>>) target(%dma_start3A_194 : memref<128x128xf32, #tpu.memory_space<hbm>>) target_semaphore(%arg14 : memref<!tpu.dma_semaphore, #tpu.memory_space<semaphore_mem>>)
      %mul3A_199 = arith.constant 4 : i32
      %mul3A_200 = arith.muli %scan3A_91, %mul3A_199 : i32
      %add3A_201 = arith.constant 2 : i32
      %add3A_202 = arith.addi %mul3A_200, %add3A_201 : i32
      %add3A_203 = arith.constant 2 : i32
      %add3A_204 = arith.addi %add3A_202, %add3A_203 : i32
      %le3A = arith.constant 48 : i32
      %le3A_205 = arith.cmpi sle, %scan3A_91, %le3A : i32
      %convert_element_type3A_206 = arith.extui %le3A_205 : i1 to i32
      %cond3A_207 = arith.constant 0 : i32
      %cond3A_208 = arith.cmpi ne, %convert_element_type3A_206, %cond3A_207 : i32
      scf.if %cond3A_208 {
        %dma_wait3A_287 = arith.constant 0 : i32
        %dma_wait3A_288 = arith.constant 0 : i32
        %dma_wait3A_289 = arith.constant 0 : i32
        %dma_wait3A_290 = tpu.memref_slice %arg8[%dma_wait3A_287, %dma_wait3A_288, %dma_wait3A_289] : memref<4x128x128xf32, #tpu.memory_space<vmem>> -> memref<1x128x128xf32, #tpu.memory_space<vmem>>
        %dma_wait3A_291 = tpu.memref_squeeze %dma_wait3A_290 : memref<1x128x128xf32, #tpu.memory_space<vmem>> -> memref<128x128xf32, #tpu.memory_space<vmem>>
        %dma_wait3A_292 = arith.constant 0 : i32
        %dma_wait3A_293 = arith.constant 0 : i32
        %dma_wait3A_294 = tpu.memref_slice %arg5[%dma_wait3A_292, %dma_wait3A_293] : memref<819200x128xf32, #tpu.memory_space<hbm>> -> memref<128x128xf32, #tpu.memory_space<hbm>>
        %dma_wait3A_295 = arith.constant 0 : i32
        %dma_wait3A_296 = arith.constant 0 : i32
        %dma_wait3A_297 = tpu.memref_slice %arg5[%dma_wait3A_295, %dma_wait3A_296] : memref<819200x128xf32, #tpu.memory_space<hbm>> -> memref<128x128xf32, #tpu.memory_space<hbm>>
        %dma_wait3A_298 = arith.constant 0 : i32
        %dma_wait3A_299 = arith.constant 0 : i32
        %dma_wait3A_300 = tpu.memref_slice %arg8[%dma_wait3A_287, %dma_wait3A_298, %dma_wait3A_299] : memref<4x128x128xf32, #tpu.memory_space<vmem>> -> memref<1x128x128xf32, #tpu.memory_space<vmem>>
        %dma_wait3A_301 = tpu.memref_squeeze %dma_wait3A_300 : memref<1x128x128xf32, #tpu.memory_space<vmem>> -> memref<128x128xf32, #tpu.memory_space<vmem>>
        tpu.wait_dma2 semaphore(%arg13 : memref<!tpu.dma_semaphore, #tpu.memory_space<semaphore_mem>>) src(%dma_wait3A_301 : memref<128x128xf32, #tpu.memory_space<vmem>>) dst(%dma_wait3A_297 : memref<128x128xf32, #tpu.memory_space<hbm>>)
        %dma_start3A_302 = arith.constant 0 : i32
        %dma_start3A_303 = arith.constant 0 : i32
        %dma_start3A_304 = arith.constant 0 : i32
        %dma_start3A_305 = tpu.memref_slice %arg8[%dma_start3A_302, %dma_start3A_303, %dma_start3A_304] : memref<4x128x128xf32, #tpu.memory_space<vmem>> -> memref<1x128x128xf32, #tpu.memory_space<vmem>>
        %dma_start3A_306 = tpu.memref_squeeze %dma_start3A_305 : memref<1x128x128xf32, #tpu.memory_space<vmem>> -> memref<128x128xf32, #tpu.memory_space<vmem>>
        %dma_start3A_307 = arith.constant 0 : i32
        %dma_start3A_308 = tpu.memref_slice %arg7[%add3A_204, %dma_start3A_307] : memref<200x128xi32, #tpu.memory_space<vmem>> -> memref<1x128xi32, #tpu.memory_space<vmem>>
        %dma_start3A_309 = tpu.memref_squeeze %dma_start3A_308 : memref<1x128xi32, #tpu.memory_space<vmem>> -> memref<128xi32, #tpu.memory_space<vmem>>
        %dma_start3A_310 = arith.constant 0 : i32
        %dma_start3A_311 = arith.constant 0 : i32
        %dma_start3A_312 = tpu.memref_slice %arg3[%dma_start3A_310, %dma_start3A_311] : memref<100000x128xf32, #tpu.memory_space<hbm>> -> memref<100000x128xf32, #tpu.memory_space<hbm>>
        tpu.enqueue_indirect_dma source(%dma_start3A_312 : memref<100000x128xf32, #tpu.memory_space<hbm>>) target(%dma_start3A_306 : memref<128x128xf32, #tpu.memory_space<vmem>>) offsets(%dma_start3A_309 : memref<128xi32, #tpu.memory_space<vmem>>) semaphore(%arg9 : memref<!tpu.dma_semaphore, #tpu.memory_space<semaphore_mem>>)
      } else {
      }
      %dma_wait3A_209 = arith.constant 2 : i32
      %dma_wait3A_210 = arith.constant 0 : i32
      %dma_wait3A_211 = arith.constant 0 : i32
      %dma_wait3A_212 = tpu.memref_slice %arg8[%dma_wait3A_209, %dma_wait3A_210, %dma_wait3A_211] : memref<4x128x128xf32, #tpu.memory_space<vmem>> -> memref<1x128x128xf32, #tpu.memory_space<vmem>>
      %dma_wait3A_213 = tpu.memref_squeeze %dma_wait3A_212 : memref<1x128x128xf32, #tpu.memory_space<vmem>> -> memref<128x128xf32, #tpu.memory_space<vmem>>
      %dma_wait3A_214 = arith.constant 0 : i32
      %dma_wait3A_215 = tpu.memref_slice %arg7[%add3A_202, %dma_wait3A_214] : memref<200x128xi32, #tpu.memory_space<vmem>> -> memref<1x128xi32, #tpu.memory_space<vmem>>
      %dma_wait3A_216 = tpu.memref_squeeze %dma_wait3A_215 : memref<1x128xi32, #tpu.memory_space<vmem>> -> memref<128xi32, #tpu.memory_space<vmem>>
      %dma_wait3A_217 = arith.constant 0 : i32
      %dma_wait3A_218 = arith.constant 0 : i32
      %dma_wait3A_219 = tpu.memref_slice %arg3[%dma_wait3A_217, %dma_wait3A_218] : memref<100000x128xf32, #tpu.memory_space<hbm>> -> memref<100000x128xf32, #tpu.memory_space<hbm>>
      tpu.wait_indirect_dma semaphore(%arg11 : memref<!tpu.dma_semaphore, #tpu.memory_space<semaphore_mem>>) src(%dma_wait3A_219 : memref<100000x128xf32, #tpu.memory_space<hbm>>) dst(%dma_wait3A_213 : memref<128x128xf32, #tpu.memory_space<vmem>>)
      %add3A_220 = arith.addi %mul3A_2, %add3A_202 : i32
      %mul3A_221 = arith.constant 128 : i32
      %mul3A_222 = arith.muli %add3A_220, %mul3A_221 : i32
      %parallel_loop3A_223 = arith.constant 0 : i32
      %parallel_loop3A_224 = arith.constant 128 : i32
      %parallel_loop3A_225 = arith.constant 1 : i32
      scf.for %parallel_loop3A_287 = %parallel_loop3A_223 to %parallel_loop3A_224 step %parallel_loop3A_225  : i32 {
        %parallel_loop3A_288 = arith.addi %mul3A_222, %parallel_loop3A_287 : i32
        %parallel_loop3A_289 = arith.constant 200 : i32
        %parallel_loop3A_290 = arith.remsi %parallel_loop3A_288, %parallel_loop3A_289 : i32
        %parallel_loop3A_291 = arith.index_cast %parallel_loop3A_290 : i32 to index
        %parallel_loop3A_292 = arith.constant 0 : index
        %parallel_loop3A_293 = tpu.vector_load %arg6[%parallel_loop3A_291, %parallel_loop3A_292] {strides = array<i32>} : memref<200x128xf32, #tpu.memory_space<vmem>>, vector<1x16xf32>,
        %parallel_loop3A_294 = vector.shape_cast %parallel_loop3A_293 : vector<1x16xf32> to vector<16xf32>
        %parallel_loop3A_295 = arith.constant 2 : i32
        %parallel_loop3A_296 = arith.index_cast %parallel_loop3A_295 : i32 to index
        %parallel_loop3A_297 = arith.index_cast %parallel_loop3A_287 : i32 to index
        %parallel_loop3A_298 = arith.constant 0 : index
        %parallel_loop3A_299 = tpu.vector_load %arg8[%parallel_loop3A_296, %parallel_loop3A_297, %parallel_loop3A_298] {strides = array<i32>} : memref<4x128x128xf32, #tpu.memory_space<vmem>>, vector<1x1x16xf32>,
        %parallel_loop3A_300 = vector.shape_cast %parallel_loop3A_299 : vector<1x1x16xf32> to vector<16xf32>
        %parallel_loop3A_301 = vector.shape_cast %parallel_loop3A_294 : vector<16xf32> to vector<1x1x16xf32>
        tpu.vector_store %arg8[%parallel_loop3A_296, %parallel_loop3A_297, %parallel_loop3A_298], %parallel_loop3A_301 {add = true, strides = array<i32>} : memref<4x128x128xf32, #tpu.memory_space<vmem>>, vector<1x1x16xf32>,
        %parallel_loop3A_302 = arith.index_cast %parallel_loop3A_290 : i32 to index
        %parallel_loop3A_303 = arith.constant 16 : index
        %parallel_loop3A_304 = tpu.vector_load %arg6[%parallel_loop3A_302, %parallel_loop3A_303] {strides = array<i32>} : memref<200x128xf32, #tpu.memory_space<vmem>>, vector<1x16xf32>,
        %parallel_loop3A_305 = vector.shape_cast %parallel_loop3A_304 : vector<1x16xf32> to vector<16xf32>
        %parallel_loop3A_306 = arith.constant 2 : i32
        %parallel_loop3A_307 = arith.index_cast %parallel_loop3A_306 : i32 to index
        %parallel_loop3A_308 = arith.index_cast %parallel_loop3A_287 : i32 to index
        %parallel_loop3A_309 = arith.constant 16 : index
        %parallel_loop3A_310 = tpu.vector_load %arg8[%parallel_loop3A_307, %parallel_loop3A_308, %parallel_loop3A_309] {strides = array<i32>} : memref<4x128x128xf32, #tpu.memory_space<vmem>>, vector<1x1x16xf32>,
        %parallel_loop3A_311 = vector.shape_cast %parallel_loop3A_310 : vector<1x1x16xf32> to vector<16xf32>
        %parallel_loop3A_312 = vector.shape_cast %parallel_loop3A_305 : vector<16xf32> to vector<1x1x16xf32>
        tpu.vector_store %arg8[%parallel_loop3A_307, %parallel_loop3A_308, %parallel_loop3A_309], %parallel_loop3A_312 {add = true, strides = array<i32>} : memref<4x128x128xf32, #tpu.memory_space<vmem>>, vector<1x1x16xf32>,
        %parallel_loop3A_313 = arith.index_cast %parallel_loop3A_290 : i32 to index
        %parallel_loop3A_314 = arith.constant 32 : index
        %parallel_loop3A_315 = tpu.vector_load %arg6[%parallel_loop3A_313, %parallel_loop3A_314] {strides = array<i32>} : memref<200x128xf32, #tpu.memory_space<vmem>>, vector<1x16xf32>,
        %parallel_loop3A_316 = vector.shape_cast %parallel_loop3A_315 : vector<1x16xf32> to vector<16xf32>
        %parallel_loop3A_317 = arith.constant 2 : i32
        %parallel_loop3A_318 = arith.index_cast %parallel_loop3A_317 : i32 to index
        %parallel_loop3A_319 = arith.index_cast %parallel_loop3A_287 : i32 to index
        %parallel_loop3A_320 = arith.constant 32 : index
        %parallel_loop3A_321 = tpu.vector_load %arg8[%parallel_loop3A_318, %parallel_loop3A_319, %parallel_loop3A_320] {strides = array<i32>} : memref<4x128x128xf32, #tpu.memory_space<vmem>>, vector<1x1x16xf32>,
        %parallel_loop3A_322 = vector.shape_cast %parallel_loop3A_321 : vector<1x1x16xf32> to vector<16xf32>
        %parallel_loop3A_323 = vector.shape_cast %parallel_loop3A_316 : vector<16xf32> to vector<1x1x16xf32>
        tpu.vector_store %arg8[%parallel_loop3A_318, %parallel_loop3A_319, %parallel_loop3A_320], %parallel_loop3A_323 {add = true, strides = array<i32>} : memref<4x128x128xf32, #tpu.memory_space<vmem>>, vector<1x1x16xf32>,
        %parallel_loop3A_324 = arith.index_cast %parallel_loop3A_290 : i32 to index
        %parallel_loop3A_325 = arith.constant 48 : index
        %parallel_loop3A_326 = tpu.vector_load %arg6[%parallel_loop3A_324, %parallel_loop3A_325] {strides = array<i32>} : memref<200x128xf32, #tpu.memory_space<vmem>>, vector<1x16xf32>,
        %parallel_loop3A_327 = vector.shape_cast %parallel_loop3A_326 : vector<1x16xf32> to vector<16xf32>
        %parallel_loop3A_328 = arith.constant 2 : i32
        %parallel_loop3A_329 = arith.index_cast %parallel_loop3A_328 : i32 to index
        %parallel_loop3A_330 = arith.index_cast %parallel_loop3A_287 : i32 to index
        %parallel_loop3A_331 = arith.constant 48 : index
        %parallel_loop3A_332 = tpu.vector_load %arg8[%parallel_loop3A_329, %parallel_loop3A_330, %parallel_loop3A_331] {strides = array<i32>} : memref<4x128x128xf32, #tpu.memory_space<vmem>>, vector<1x1x16xf32>,
        %parallel_loop3A_333 = vector.shape_cast %parallel_loop3A_332 : vector<1x1x16xf32> to vector<16xf32>
        %parallel_loop3A_334 = vector.shape_cast %parallel_loop3A_327 : vector<16xf32> to vector<1x1x16xf32>
        tpu.vector_store %arg8[%parallel_loop3A_329, %parallel_loop3A_330, %parallel_loop3A_331], %parallel_loop3A_334 {add = true, strides = array<i32>} : memref<4x128x128xf32, #tpu.memory_space<vmem>>, vector<1x1x16xf32>,
        %parallel_loop3A_335 = arith.index_cast %parallel_loop3A_290 : i32 to index
        %parallel_loop3A_336 = arith.constant 64 : index
        %parallel_loop3A_337 = tpu.vector_load %arg6[%parallel_loop3A_335, %parallel_loop3A_336] {strides = array<i32>} : memref<200x128xf32, #tpu.memory_space<vmem>>, vector<1x16xf32>,
        %parallel_loop3A_338 = vector.shape_cast %parallel_loop3A_337 : vector<1x16xf32> to vector<16xf32>
        %parallel_loop3A_339 = arith.constant 2 : i32
        %parallel_loop3A_340 = arith.index_cast %parallel_loop3A_339 : i32 to index
        %parallel_loop3A_341 = arith.index_cast %parallel_loop3A_287 : i32 to index
        %parallel_loop3A_342 = arith.constant 64 : index
        %parallel_loop3A_343 = tpu.vector_load %arg8[%parallel_loop3A_340, %parallel_loop3A_341, %parallel_loop3A_342] {strides = array<i32>} : memref<4x128x128xf32, #tpu.memory_space<vmem>>, vector<1x1x16xf32>,
        %parallel_loop3A_344 = vector.shape_cast %parallel_loop3A_343 : vector<1x1x16xf32> to vector<16xf32>
        %parallel_loop3A_345 = vector.shape_cast %parallel_loop3A_338 : vector<16xf32> to vector<1x1x16xf32>
        tpu.vector_store %arg8[%parallel_loop3A_340, %parallel_loop3A_341, %parallel_loop3A_342], %parallel_loop3A_345 {add = true, strides = array<i32>} : memref<4x128x128xf32, #tpu.memory_space<vmem>>, vector<1x1x16xf32>,
        %parallel_loop3A_346 = arith.index_cast %parallel_loop3A_290 : i32 to index
        %parallel_loop3A_347 = arith.constant 80 : index
        %parallel_loop3A_348 = tpu.vector_load %arg6[%parallel_loop3A_346, %parallel_loop3A_347] {strides = array<i32>} : memref<200x128xf32, #tpu.memory_space<vmem>>, vector<1x16xf32>,
        %parallel_loop3A_349 = vector.shape_cast %parallel_loop3A_348 : vector<1x16xf32> to vector<16xf32>
        %parallel_loop3A_350 = arith.constant 2 : i32
        %parallel_loop3A_351 = arith.index_cast %parallel_loop3A_350 : i32 to index
        %parallel_loop3A_352 = arith.index_cast %parallel_loop3A_287 : i32 to index
        %parallel_loop3A_353 = arith.constant 80 : index
        %parallel_loop3A_354 = tpu.vector_load %arg8[%parallel_loop3A_351, %parallel_loop3A_352, %parallel_loop3A_353] {strides = array<i32>} : memref<4x128x128xf32, #tpu.memory_space<vmem>>, vector<1x1x16xf32>,
        %parallel_loop3A_355 = vector.shape_cast %parallel_loop3A_354 : vector<1x1x16xf32> to vector<16xf32>
        %parallel_loop3A_356 = vector.shape_cast %parallel_loop3A_349 : vector<16xf32> to vector<1x1x16xf32>
        tpu.vector_store %arg8[%parallel_loop3A_351, %parallel_loop3A_352, %parallel_loop3A_353], %parallel_loop3A_356 {add = true, strides = array<i32>} : memref<4x128x128xf32, #tpu.memory_space<vmem>>, vector<1x1x16xf32>,
        %parallel_loop3A_357 = arith.index_cast %parallel_loop3A_290 : i32 to index
        %parallel_loop3A_358 = arith.constant 96 : index
        %parallel_loop3A_359 = tpu.vector_load %arg6[%parallel_loop3A_357, %parallel_loop3A_358] {strides = array<i32>} : memref<200x128xf32, #tpu.memory_space<vmem>>, vector<1x16xf32>,
        %parallel_loop3A_360 = vector.shape_cast %parallel_loop3A_359 : vector<1x16xf32> to vector<16xf32>
        %parallel_loop3A_361 = arith.constant 2 : i32
        %parallel_loop3A_362 = arith.index_cast %parallel_loop3A_361 : i32 to index
        %parallel_loop3A_363 = arith.index_cast %parallel_loop3A_287 : i32 to index
        %parallel_loop3A_364 = arith.constant 96 : index
        %parallel_loop3A_365 = tpu.vector_load %arg8[%parallel_loop3A_362, %parallel_loop3A_363, %parallel_loop3A_364] {strides = array<i32>} : memref<4x128x128xf32, #tpu.memory_space<vmem>>, vector<1x1x16xf32>,
        %parallel_loop3A_366 = vector.shape_cast %parallel_loop3A_365 : vector<1x1x16xf32> to vector<16xf32>
        %parallel_loop3A_367 = vector.shape_cast %parallel_loop3A_360 : vector<16xf32> to vector<1x1x16xf32>
        tpu.vector_store %arg8[%parallel_loop3A_362, %parallel_loop3A_363, %parallel_loop3A_364], %parallel_loop3A_367 {add = true, strides = array<i32>} : memref<4x128x128xf32, #tpu.memory_space<vmem>>, vector<1x1x16xf32>,
        %parallel_loop3A_368 = arith.index_cast %parallel_loop3A_290 : i32 to index
        %parallel_loop3A_369 = arith.constant 112 : index
        %parallel_loop3A_370 = tpu.vector_load %arg6[%parallel_loop3A_368, %parallel_loop3A_369] {strides = array<i32>} : memref<200x128xf32, #tpu.memory_space<vmem>>, vector<1x16xf32>,
        %parallel_loop3A_371 = vector.shape_cast %parallel_loop3A_370 : vector<1x16xf32> to vector<16xf32>
        %parallel_loop3A_372 = arith.constant 2 : i32
        %parallel_loop3A_373 = arith.index_cast %parallel_loop3A_372 : i32 to index
        %parallel_loop3A_374 = arith.index_cast %parallel_loop3A_287 : i32 to index
        %parallel_loop3A_375 = arith.constant 112 : index
        %parallel_loop3A_376 = tpu.vector_load %arg8[%parallel_loop3A_373, %parallel_loop3A_374, %parallel_loop3A_375] {strides = array<i32>} : memref<4x128x128xf32, #tpu.memory_space<vmem>>, vector<1x1x16xf32>,
        %parallel_loop3A_377 = vector.shape_cast %parallel_loop3A_376 : vector<1x1x16xf32> to vector<16xf32>
        %parallel_loop3A_378 = vector.shape_cast %parallel_loop3A_371 : vector<16xf32> to vector<1x1x16xf32>
        tpu.vector_store %arg8[%parallel_loop3A_373, %parallel_loop3A_374, %parallel_loop3A_375], %parallel_loop3A_378 {add = true, strides = array<i32>} : memref<4x128x128xf32, #tpu.memory_space<vmem>>, vector<1x1x16xf32>,
      } {sc.loop_unroll_factor = 4 : i64, sc.parallel_access}
      %add3A_226 = arith.addi %mul3A_2, %add3A_202 : i32
      %mul3A_227 = arith.constant 128 : i32
      %mul3A_228 = arith.muli %add3A_226, %mul3A_227 : i32
      %dma_start3A_229 = arith.constant 2 : i32
      %dma_start3A_230 = arith.constant 0 : i32
      %dma_start3A_231 = arith.constant 0 : i32
      %dma_start3A_232 = tpu.memref_slice %arg8[%dma_start3A_229, %dma_start3A_230, %dma_start3A_231] : memref<4x128x128xf32, #tpu.memory_space<vmem>> -> memref<1x128x128xf32, #tpu.memory_space<vmem>>
      %dma_start3A_233 = tpu.memref_squeeze %dma_start3A_232 : memref<1x128x128xf32, #tpu.memory_space<vmem>> -> memref<128x128xf32, #tpu.memory_space<vmem>>
      %dma_start3A_234 = arith.constant 0 : i32
      %dma_start3A_235 = tpu.memref_slice %arg5[%mul3A_228, %dma_start3A_234] : memref<819200x128xf32, #tpu.memory_space<hbm>> -> memref<128x128xf32, #tpu.memory_space<hbm>>
      %dma_start3A_236 = arith.constant 0 : i32
      %dma_start3A_237 = tpu.memref_slice %arg5[%mul3A_228, %dma_start3A_236] : memref<819200x128xf32, #tpu.memory_space<hbm>> -> memref<128x128xf32, #tpu.memory_space<hbm>>
      %dma_start3A_238 = arith.constant 0 : i32
      %dma_start3A_239 = arith.constant 0 : i32
      %dma_start3A_240 = tpu.memref_slice %arg8[%dma_start3A_229, %dma_start3A_238, %dma_start3A_239] : memref<4x128x128xf32, #tpu.memory_space<vmem>> -> memref<1x128x128xf32, #tpu.memory_space<vmem>>
      %dma_start3A_241 = tpu.memref_squeeze %dma_start3A_240 : memref<1x128x128xf32, #tpu.memory_space<vmem>> -> memref<128x128xf32, #tpu.memory_space<vmem>>
      tpu.enqueue_dma source(%dma_start3A_241 : memref<128x128xf32, #tpu.memory_space<vmem>>) target(%dma_start3A_237 : memref<128x128xf32, #tpu.memory_space<hbm>>) target_semaphore(%arg15 : memref<!tpu.dma_semaphore, #tpu.memory_space<semaphore_mem>>)
      %mul3A_242 = arith.constant 4 : i32
      %mul3A_243 = arith.muli %scan3A_91, %mul3A_242 : i32
      %add3A_244 = arith.constant 3 : i32
      %add3A_245 = arith.addi %mul3A_243, %add3A_244 : i32
      %add3A_246 = arith.constant 2 : i32
      %add3A_247 = arith.addi %add3A_245, %add3A_246 : i32
      %le3A_248 = arith.constant 48 : i32
      %le3A_249 = arith.cmpi sle, %scan3A_91, %le3A_248 : i32
      %convert_element_type3A_250 = arith.extui %le3A_249 : i1 to i32
      %cond3A_251 = arith.constant 0 : i32
      %cond3A_252 = arith.cmpi ne, %convert_element_type3A_250, %cond3A_251 : i32
      scf.if %cond3A_252 {
        %dma_wait3A_287 = arith.constant 1 : i32
        %dma_wait3A_288 = arith.constant 0 : i32
        %dma_wait3A_289 = arith.constant 0 : i32
        %dma_wait3A_290 = tpu.memref_slice %arg8[%dma_wait3A_287, %dma_wait3A_288, %dma_wait3A_289] : memref<4x128x128xf32, #tpu.memory_space<vmem>> -> memref<1x128x128xf32, #tpu.memory_space<vmem>>
        %dma_wait3A_291 = tpu.memref_squeeze %dma_wait3A_290 : memref<1x128x128xf32, #tpu.memory_space<vmem>> -> memref<128x128xf32, #tpu.memory_space<vmem>>
        %dma_wait3A_292 = arith.constant 0 : i32
        %dma_wait3A_293 = arith.constant 0 : i32
        %dma_wait3A_294 = tpu.memref_slice %arg5[%dma_wait3A_292, %dma_wait3A_293] : memref<819200x128xf32, #tpu.memory_space<hbm>> -> memref<128x128xf32, #tpu.memory_space<hbm>>
        %dma_wait3A_295 = arith.constant 0 : i32
        %dma_wait3A_296 = arith.constant 0 : i32
        %dma_wait3A_297 = tpu.memref_slice %arg5[%dma_wait3A_295, %dma_wait3A_296] : memref<819200x128xf32, #tpu.memory_space<hbm>> -> memref<128x128xf32, #tpu.memory_space<hbm>>
        %dma_wait3A_298 = arith.constant 0 : i32
        %dma_wait3A_299 = arith.constant 0 : i32
        %dma_wait3A_300 = tpu.memref_slice %arg8[%dma_wait3A_287, %dma_wait3A_298, %dma_wait3A_299] : memref<4x128x128xf32, #tpu.memory_space<vmem>> -> memref<1x128x128xf32, #tpu.memory_space<vmem>>
        %dma_wait3A_301 = tpu.memref_squeeze %dma_wait3A_300 : memref<1x128x128xf32, #tpu.memory_space<vmem>> -> memref<128x128xf32, #tpu.memory_space<vmem>>
        tpu.wait_dma2 semaphore(%arg14 : memref<!tpu.dma_semaphore, #tpu.memory_space<semaphore_mem>>) src(%dma_wait3A_301 : memref<128x128xf32, #tpu.memory_space<vmem>>) dst(%dma_wait3A_297 : memref<128x128xf32, #tpu.memory_space<hbm>>)
        %dma_start3A_302 = arith.constant 1 : i32
        %dma_start3A_303 = arith.constant 0 : i32
        %dma_start3A_304 = arith.constant 0 : i32
        %dma_start3A_305 = tpu.memref_slice %arg8[%dma_start3A_302, %dma_start3A_303, %dma_start3A_304] : memref<4x128x128xf32, #tpu.memory_space<vmem>> -> memref<1x128x128xf32, #tpu.memory_space<vmem>>
        %dma_start3A_306 = tpu.memref_squeeze %dma_start3A_305 : memref<1x128x128xf32, #tpu.memory_space<vmem>> -> memref<128x128xf32, #tpu.memory_space<vmem>>
        %dma_start3A_307 = arith.constant 0 : i32
        %dma_start3A_308 = tpu.memref_slice %arg7[%add3A_247, %dma_start3A_307] : memref<200x128xi32, #tpu.memory_space<vmem>> -> memref<1x128xi32, #tpu.memory_space<vmem>>
        %dma_start3A_309 = tpu.memref_squeeze %dma_start3A_308 : memref<1x128xi32, #tpu.memory_space<vmem>> -> memref<128xi32, #tpu.memory_space<vmem>>
        %dma_start3A_310 = arith.constant 0 : i32
        %dma_start3A_311 = arith.constant 0 : i32
        %dma_start3A_312 = tpu.memref_slice %arg3[%dma_start3A_310, %dma_start3A_311] : memref<100000x128xf32, #tpu.memory_space<hbm>> -> memref<100000x128xf32, #tpu.memory_space<hbm>>
        tpu.enqueue_indirect_dma source(%dma_start3A_312 : memref<100000x128xf32, #tpu.memory_space<hbm>>) target(%dma_start3A_306 : memref<128x128xf32, #tpu.memory_space<vmem>>) offsets(%dma_start3A_309 : memref<128xi32, #tpu.memory_space<vmem>>) semaphore(%arg10 : memref<!tpu.dma_semaphore, #tpu.memory_space<semaphore_mem>>)
      } else {
      }
      %dma_wait3A_253 = arith.constant 3 : i32
      %dma_wait3A_254 = arith.constant 0 : i32
      %dma_wait3A_255 = arith.constant 0 : i32
      %dma_wait3A_256 = tpu.memref_slice %arg8[%dma_wait3A_253, %dma_wait3A_254, %dma_wait3A_255] : memref<4x128x128xf32, #tpu.memory_space<vmem>> -> memref<1x128x128xf32, #tpu.memory_space<vmem>>
      %dma_wait3A_257 = tpu.memref_squeeze %dma_wait3A_256 : memref<1x128x128xf32, #tpu.memory_space<vmem>> -> memref<128x128xf32, #tpu.memory_space<vmem>>
      %dma_wait3A_258 = arith.constant 0 : i32
      %dma_wait3A_259 = tpu.memref_slice %arg7[%add3A_245, %dma_wait3A_258] : memref<200x128xi32, #tpu.memory_space<vmem>> -> memref<1x128xi32, #tpu.memory_space<vmem>>
      %dma_wait3A_260 = tpu.memref_squeeze %dma_wait3A_259 : memref<1x128xi32, #tpu.memory_space<vmem>> -> memref<128xi32, #tpu.memory_space<vmem>>
      %dma_wait3A_261 = arith.constant 0 : i32
      %dma_wait3A_262 = arith.constant 0 : i32
      %dma_wait3A_263 = tpu.memref_slice %arg3[%dma_wait3A_261, %dma_wait3A_262] : memref<100000x128xf32, #tpu.memory_space<hbm>> -> memref<100000x128xf32, #tpu.memory_space<hbm>>
      tpu.wait_indirect_dma semaphore(%arg12 : memref<!tpu.dma_semaphore, #tpu.memory_space<semaphore_mem>>) src(%dma_wait3A_263 : memref<100000x128xf32, #tpu.memory_space<hbm>>) dst(%dma_wait3A_257 : memref<128x128xf32, #tpu.memory_space<vmem>>)
      %add3A_264 = arith.addi %mul3A_2, %add3A_245 : i32
      %mul3A_265 = arith.constant 128 : i32
      %mul3A_266 = arith.muli %add3A_264, %mul3A_265 : i32
      %parallel_loop3A_267 = arith.constant 0 : i32
      %parallel_loop3A_268 = arith.constant 128 : i32
      %parallel_loop3A_269 = arith.constant 1 : i32
      scf.for %parallel_loop3A_287 = %parallel_loop3A_267 to %parallel_loop3A_268 step %parallel_loop3A_269  : i32 {
        %parallel_loop3A_288 = arith.addi %mul3A_266, %parallel_loop3A_287 : i32
        %parallel_loop3A_289 = arith.constant 200 : i32
        %parallel_loop3A_290 = arith.remsi %parallel_loop3A_288, %parallel_loop3A_289 : i32
        %parallel_loop3A_291 = arith.index_cast %parallel_loop3A_290 : i32 to index
        %parallel_loop3A_292 = arith.constant 0 : index
        %parallel_loop3A_293 = tpu.vector_load %arg6[%parallel_loop3A_291, %parallel_loop3A_292] {strides = array<i32>} : memref<200x128xf32, #tpu.memory_space<vmem>>, vector<1x16xf32>,
        %parallel_loop3A_294 = vector.shape_cast %parallel_loop3A_293 : vector<1x16xf32> to vector<16xf32>
        %parallel_loop3A_295 = arith.constant 3 : i32
        %parallel_loop3A_296 = arith.index_cast %parallel_loop3A_295 : i32 to index
        %parallel_loop3A_297 = arith.index_cast %parallel_loop3A_287 : i32 to index
        %parallel_loop3A_298 = arith.constant 0 : index
        %parallel_loop3A_299 = tpu.vector_load %arg8[%parallel_loop3A_296, %parallel_loop3A_297, %parallel_loop3A_298] {strides = array<i32>} : memref<4x128x128xf32, #tpu.memory_space<vmem>>, vector<1x1x16xf32>,
        %parallel_loop3A_300 = vector.shape_cast %parallel_loop3A_299 : vector<1x1x16xf32> to vector<16xf32>
        %parallel_loop3A_301 = vector.shape_cast %parallel_loop3A_294 : vector<16xf32> to vector<1x1x16xf32>
        tpu.vector_store %arg8[%parallel_loop3A_296, %parallel_loop3A_297, %parallel_loop3A_298], %parallel_loop3A_301 {add = true, strides = array<i32>} : memref<4x128x128xf32, #tpu.memory_space<vmem>>, vector<1x1x16xf32>,
        %parallel_loop3A_302 = arith.index_cast %parallel_loop3A_290 : i32 to index
        %parallel_loop3A_303 = arith.constant 16 : index
        %parallel_loop3A_304 = tpu.vector_load %arg6[%parallel_loop3A_302, %parallel_loop3A_303] {strides = array<i32>} : memref<200x128xf32, #tpu.memory_space<vmem>>, vector<1x16xf32>,
        %parallel_loop3A_305 = vector.shape_cast %parallel_loop3A_304 : vector<1x16xf32> to vector<16xf32>
        %parallel_loop3A_306 = arith.constant 3 : i32
        %parallel_loop3A_307 = arith.index_cast %parallel_loop3A_306 : i32 to index
        %parallel_loop3A_308 = arith.index_cast %parallel_loop3A_287 : i32 to index
        %parallel_loop3A_309 = arith.constant 16 : index
        %parallel_loop3A_310 = tpu.vector_load %arg8[%parallel_loop3A_307, %parallel_loop3A_308, %parallel_loop3A_309] {strides = array<i32>} : memref<4x128x128xf32, #tpu.memory_space<vmem>>, vector<1x1x16xf32>,
        %parallel_loop3A_311 = vector.shape_cast %parallel_loop3A_310 : vector<1x1x16xf32> to vector<16xf32>
        %parallel_loop3A_312 = vector.shape_cast %parallel_loop3A_305 : vector<16xf32> to vector<1x1x16xf32>
        tpu.vector_store %arg8[%parallel_loop3A_307, %parallel_loop3A_308, %parallel_loop3A_309], %parallel_loop3A_312 {add = true, strides = array<i32>} : memref<4x128x128xf32, #tpu.memory_space<vmem>>, vector<1x1x16xf32>,
        %parallel_loop3A_313 = arith.index_cast %parallel_loop3A_290 : i32 to index
        %parallel_loop3A_314 = arith.constant 32 : index
        %parallel_loop3A_315 = tpu.vector_load %arg6[%parallel_loop3A_313, %parallel_loop3A_314] {strides = array<i32>} : memref<200x128xf32, #tpu.memory_space<vmem>>, vector<1x16xf32>,
        %parallel_loop3A_316 = vector.shape_cast %parallel_loop3A_315 : vector<1x16xf32> to vector<16xf32>
        %parallel_loop3A_317 = arith.constant 3 : i32
        %parallel_loop3A_318 = arith.index_cast %parallel_loop3A_317 : i32 to index
        %parallel_loop3A_319 = arith.index_cast %parallel_loop3A_287 : i32 to index
        %parallel_loop3A_320 = arith.constant 32 : index
        %parallel_loop3A_321 = tpu.vector_load %arg8[%parallel_loop3A_318, %parallel_loop3A_319, %parallel_loop3A_320] {strides = array<i32>} : memref<4x128x128xf32, #tpu.memory_space<vmem>>, vector<1x1x16xf32>,
        %parallel_loop3A_322 = vector.shape_cast %parallel_loop3A_321 : vector<1x1x16xf32> to vector<16xf32>
        %parallel_loop3A_323 = vector.shape_cast %parallel_loop3A_316 : vector<16xf32> to vector<1x1x16xf32>
        tpu.vector_store %arg8[%parallel_loop3A_318, %parallel_loop3A_319, %parallel_loop3A_320], %parallel_loop3A_323 {add = true, strides = array<i32>} : memref<4x128x128xf32, #tpu.memory_space<vmem>>, vector<1x1x16xf32>,
        %parallel_loop3A_324 = arith.index_cast %parallel_loop3A_290 : i32 to index
        %parallel_loop3A_325 = arith.constant 48 : index
        %parallel_loop3A_326 = tpu.vector_load %arg6[%parallel_loop3A_324, %parallel_loop3A_325] {strides = array<i32>} : memref<200x128xf32, #tpu.memory_space<vmem>>, vector<1x16xf32>,
        %parallel_loop3A_327 = vector.shape_cast %parallel_loop3A_326 : vector<1x16xf32> to vector<16xf32>
        %parallel_loop3A_328 = arith.constant 3 : i32
        %parallel_loop3A_329 = arith.index_cast %parallel_loop3A_328 : i32 to index
        %parallel_loop3A_330 = arith.index_cast %parallel_loop3A_287 : i32 to index
        %parallel_loop3A_331 = arith.constant 48 : index
        %parallel_loop3A_332 = tpu.vector_load %arg8[%parallel_loop3A_329, %parallel_loop3A_330, %parallel_loop3A_331] {strides = array<i32>} : memref<4x128x128xf32, #tpu.memory_space<vmem>>, vector<1x1x16xf32>,
        %parallel_loop3A_333 = vector.shape_cast %parallel_loop3A_332 : vector<1x1x16xf32> to vector<16xf32>
        %parallel_loop3A_334 = vector.shape_cast %parallel_loop3A_327 : vector<16xf32> to vector<1x1x16xf32>
        tpu.vector_store %arg8[%parallel_loop3A_329, %parallel_loop3A_330, %parallel_loop3A_331], %parallel_loop3A_334 {add = true, strides = array<i32>} : memref<4x128x128xf32, #tpu.memory_space<vmem>>, vector<1x1x16xf32>,
        %parallel_loop3A_335 = arith.index_cast %parallel_loop3A_290 : i32 to index
        %parallel_loop3A_336 = arith.constant 64 : index
        %parallel_loop3A_337 = tpu.vector_load %arg6[%parallel_loop3A_335, %parallel_loop3A_336] {strides = array<i32>} : memref<200x128xf32, #tpu.memory_space<vmem>>, vector<1x16xf32>,
        %parallel_loop3A_338 = vector.shape_cast %parallel_loop3A_337 : vector<1x16xf32> to vector<16xf32>
        %parallel_loop3A_339 = arith.constant 3 : i32
        %parallel_loop3A_340 = arith.index_cast %parallel_loop3A_339 : i32 to index
        %parallel_loop3A_341 = arith.index_cast %parallel_loop3A_287 : i32 to index
        %parallel_loop3A_342 = arith.constant 64 : index
        %parallel_loop3A_343 = tpu.vector_load %arg8[%parallel_loop3A_340, %parallel_loop3A_341, %parallel_loop3A_342] {strides = array<i32>} : memref<4x128x128xf32, #tpu.memory_space<vmem>>, vector<1x1x16xf32>,
        %parallel_loop3A_344 = vector.shape_cast %parallel_loop3A_343 : vector<1x1x16xf32> to vector<16xf32>
        %parallel_loop3A_345 = vector.shape_cast %parallel_loop3A_338 : vector<16xf32> to vector<1x1x16xf32>
        tpu.vector_store %arg8[%parallel_loop3A_340, %parallel_loop3A_341, %parallel_loop3A_342], %parallel_loop3A_345 {add = true, strides = array<i32>} : memref<4x128x128xf32, #tpu.memory_space<vmem>>, vector<1x1x16xf32>,
        %parallel_loop3A_346 = arith.index_cast %parallel_loop3A_290 : i32 to index
        %parallel_loop3A_347 = arith.constant 80 : index
        %parallel_loop3A_348 = tpu.vector_load %arg6[%parallel_loop3A_346, %parallel_loop3A_347] {strides = array<i32>} : memref<200x128xf32, #tpu.memory_space<vmem>>, vector<1x16xf32>,
        %parallel_loop3A_349 = vector.shape_cast %parallel_loop3A_348 : vector<1x16xf32> to vector<16xf32>
        %parallel_loop3A_350 = arith.constant 3 : i32
        %parallel_loop3A_351 = arith.index_cast %parallel_loop3A_350 : i32 to index
        %parallel_loop3A_352 = arith.index_cast %parallel_loop3A_287 : i32 to index
        %parallel_loop3A_353 = arith.constant 80 : index
        %parallel_loop3A_354 = tpu.vector_load %arg8[%parallel_loop3A_351, %parallel_loop3A_352, %parallel_loop3A_353] {strides = array<i32>} : memref<4x128x128xf32, #tpu.memory_space<vmem>>, vector<1x1x16xf32>,
        %parallel_loop3A_355 = vector.shape_cast %parallel_loop3A_354 : vector<1x1x16xf32> to vector<16xf32>
        %parallel_loop3A_356 = vector.shape_cast %parallel_loop3A_349 : vector<16xf32> to vector<1x1x16xf32>
        tpu.vector_store %arg8[%parallel_loop3A_351, %parallel_loop3A_352, %parallel_loop3A_353], %parallel_loop3A_356 {add = true, strides = array<i32>} : memref<4x128x128xf32, #tpu.memory_space<vmem>>, vector<1x1x16xf32>,
        %parallel_loop3A_357 = arith.index_cast %parallel_loop3A_290 : i32 to index
        %parallel_loop3A_358 = arith.constant 96 : index
        %parallel_loop3A_359 = tpu.vector_load %arg6[%parallel_loop3A_357, %parallel_loop3A_358] {strides = array<i32>} : memref<200x128xf32, #tpu.memory_space<vmem>>, vector<1x16xf32>,
        %parallel_loop3A_360 = vector.shape_cast %parallel_loop3A_359 : vector<1x16xf32> to vector<16xf32>
        %parallel_loop3A_361 = arith.constant 3 : i32
        %parallel_loop3A_362 = arith.index_cast %parallel_loop3A_361 : i32 to index
        %parallel_loop3A_363 = arith.index_cast %parallel_loop3A_287 : i32 to index
        %parallel_loop3A_364 = arith.constant 96 : index
        %parallel_loop3A_365 = tpu.vector_load %arg8[%parallel_loop3A_362, %parallel_loop3A_363, %parallel_loop3A_364] {strides = array<i32>} : memref<4x128x128xf32, #tpu.memory_space<vmem>>, vector<1x1x16xf32>,
        %parallel_loop3A_366 = vector.shape_cast %parallel_loop3A_365 : vector<1x1x16xf32> to vector<16xf32>
        %parallel_loop3A_367 = vector.shape_cast %parallel_loop3A_360 : vector<16xf32> to vector<1x1x16xf32>
        tpu.vector_store %arg8[%parallel_loop3A_362, %parallel_loop3A_363, %parallel_loop3A_364], %parallel_loop3A_367 {add = true, strides = array<i32>} : memref<4x128x128xf32, #tpu.memory_space<vmem>>, vector<1x1x16xf32>,
        %parallel_loop3A_368 = arith.index_cast %parallel_loop3A_290 : i32 to index
        %parallel_loop3A_369 = arith.constant 112 : index
        %parallel_loop3A_370 = tpu.vector_load %arg6[%parallel_loop3A_368, %parallel_loop3A_369] {strides = array<i32>} : memref<200x128xf32, #tpu.memory_space<vmem>>, vector<1x16xf32>,
        %parallel_loop3A_371 = vector.shape_cast %parallel_loop3A_370 : vector<1x16xf32> to vector<16xf32>
        %parallel_loop3A_372 = arith.constant 3 : i32
        %parallel_loop3A_373 = arith.index_cast %parallel_loop3A_372 : i32 to index
        %parallel_loop3A_374 = arith.index_cast %parallel_loop3A_287 : i32 to index
        %parallel_loop3A_375 = arith.constant 112 : index
        %parallel_loop3A_376 = tpu.vector_load %arg8[%parallel_loop3A_373, %parallel_loop3A_374, %parallel_loop3A_375] {strides = array<i32>} : memref<4x128x128xf32, #tpu.memory_space<vmem>>, vector<1x1x16xf32>,
        %parallel_loop3A_377 = vector.shape_cast %parallel_loop3A_376 : vector<1x1x16xf32> to vector<16xf32>
        %parallel_loop3A_378 = vector.shape_cast %parallel_loop3A_371 : vector<16xf32> to vector<1x1x16xf32>
        tpu.vector_store %arg8[%parallel_loop3A_373, %parallel_loop3A_374, %parallel_loop3A_375], %parallel_loop3A_378 {add = true, strides = array<i32>} : memref<4x128x128xf32, #tpu.memory_space<vmem>>, vector<1x1x16xf32>,
      } {sc.loop_unroll_factor = 4 : i64, sc.parallel_access}
      %add3A_270 = arith.addi %mul3A_2, %add3A_245 : i32
      %mul3A_271 = arith.constant 128 : i32
      %mul3A_272 = arith.muli %add3A_270, %mul3A_271 : i32
      %dma_start3A_273 = arith.constant 3 : i32
      %dma_start3A_274 = arith.constant 0 : i32
      %dma_start3A_275 = arith.constant 0 : i32
      %dma_start3A_276 = tpu.memref_slice %arg8[%dma_start3A_273, %dma_start3A_274, %dma_start3A_275] : memref<4x128x128xf32, #tpu.memory_space<vmem>> -> memref<1x128x128xf32, #tpu.memory_space<vmem>>
      %dma_start3A_277 = tpu.memref_squeeze %dma_start3A_276 : memref<1x128x128xf32, #tpu.memory_space<vmem>> -> memref<128x128xf32, #tpu.memory_space<vmem>>
      %dma_start3A_278 = arith.constant 0 : i32
      %dma_start3A_279 = tpu.memref_slice %arg5[%mul3A_272, %dma_start3A_278] : memref<819200x128xf32, #tpu.memory_space<hbm>> -> memref<128x128xf32, #tpu.memory_space<hbm>>
      %dma_start3A_280 = arith.constant 0 : i32
      %dma_start3A_281 = tpu.memref_slice %arg5[%mul3A_272, %dma_start3A_280] : memref<819200x128xf32, #tpu.memory_space<hbm>> -> memref<128x128xf32, #tpu.memory_space<hbm>>
      %dma_start3A_282 = arith.constant 0 : i32
      %dma_start3A_283 = arith.constant 0 : i32
      %dma_start3A_284 = tpu.memref_slice %arg8[%dma_start3A_273, %dma_start3A_282, %dma_start3A_283] : memref<4x128x128xf32, #tpu.memory_space<vmem>> -> memref<1x128x128xf32, #tpu.memory_space<vmem>>
      %dma_start3A_285 = tpu.memref_squeeze %dma_start3A_284 : memref<1x128x128xf32, #tpu.memory_space<vmem>> -> memref<128x128xf32, #tpu.memory_space<vmem>>
      tpu.enqueue_dma source(%dma_start3A_285 : memref<128x128xf32, #tpu.memory_space<vmem>>) target(%dma_start3A_281 : memref<128x128xf32, #tpu.memory_space<hbm>>) target_semaphore(%arg16 : memref<!tpu.dma_semaphore, #tpu.memory_space<semaphore_mem>>)
      %scan3A_286 = arith.constant 0 : i32
      scf.yield %scan3A_286 : i32
    }
    %scan3A_31 = arith.constant 50 : i32
    %dma_wait3A = arith.constant 0 : i32
    %dma_wait3A_32 = arith.constant 0 : i32
    %dma_wait3A_33 = arith.constant 0 : i32
    %dma_wait3A_34 = tpu.memref_slice %arg8[%dma_wait3A, %dma_wait3A_32, %dma_wait3A_33] : memref<4x128x128xf32, #tpu.memory_space<vmem>> -> memref<1x128x128xf32, #tpu.memory_space<vmem>>
    %dma_wait3A_35 = tpu.memref_squeeze %dma_wait3A_34 : memref<1x128x128xf32, #tpu.memory_space<vmem>> -> memref<128x128xf32, #tpu.memory_space<vmem>>
    %dma_wait3A_36 = arith.constant 0 : i32
    %dma_wait3A_37 = arith.constant 0 : i32
    %dma_wait3A_38 = tpu.memref_slice %arg5[%dma_wait3A_36, %dma_wait3A_37] : memref<819200x128xf32, #tpu.memory_space<hbm>> -> memref<128x128xf32, #tpu.memory_space<hbm>>
    %dma_wait3A_39 = arith.constant 0 : i32
    %dma_wait3A_40 = arith.constant 0 : i32
    %dma_wait3A_41 = tpu.memref_slice %arg5[%dma_wait3A_39, %dma_wait3A_40] : memref<819200x128xf32, #tpu.memory_space<hbm>> -> memref<128x128xf32, #tpu.memory_space<hbm>>
    %dma_wait3A_42 = arith.constant 0 : i32
    %dma_wait3A_43 = arith.constant 0 : i32
    %dma_wait3A_44 = tpu.memref_slice %arg8[%dma_wait3A, %dma_wait3A_42, %dma_wait3A_43] : memref<4x128x128xf32, #tpu.memory_space<vmem>> -> memref<1x128x128xf32, #tpu.memory_space<vmem>>
    %dma_wait3A_45 = tpu.memref_squeeze %dma_wait3A_44 : memref<1x128x128xf32, #tpu.memory_space<vmem>> -> memref<128x128xf32, #tpu.memory_space<vmem>>
    tpu.wait_dma2 semaphore(%arg13 : memref<!tpu.dma_semaphore, #tpu.memory_space<semaphore_mem>>) src(%dma_wait3A_45 : memref<128x128xf32, #tpu.memory_space<vmem>>) dst(%dma_wait3A_41 : memref<128x128xf32, #tpu.memory_space<hbm>>)
    %dma_wait3A_46 = arith.constant 1 : i32
    %dma_wait3A_47 = arith.constant 0 : i32
    %dma_wait3A_48 = arith.constant 0 : i32
    %dma_wait3A_49 = tpu.memref_slice %arg8[%dma_wait3A_46, %dma_wait3A_47, %dma_wait3A_48] : memref<4x128x128xf32, #tpu.memory_space<vmem>> -> memref<1x128x128xf32, #tpu.memory_space<vmem>>
    %dma_wait3A_50 = tpu.memref_squeeze %dma_wait3A_49 : memref<1x128x128xf32, #tpu.memory_space<vmem>> -> memref<128x128xf32, #tpu.memory_space<vmem>>
    %dma_wait3A_51 = arith.constant 0 : i32
    %dma_wait3A_52 = arith.constant 0 : i32
    %dma_wait3A_53 = tpu.memref_slice %arg5[%dma_wait3A_51, %dma_wait3A_52] : memref<819200x128xf32, #tpu.memory_space<hbm>> -> memref<128x128xf32, #tpu.memory_space<hbm>>
    %dma_wait3A_54 = arith.constant 0 : i32
    %dma_wait3A_55 = arith.constant 0 : i32
    %dma_wait3A_56 = tpu.memref_slice %arg5[%dma_wait3A_54, %dma_wait3A_55] : memref<819200x128xf32, #tpu.memory_space<hbm>> -> memref<128x128xf32, #tpu.memory_space<hbm>>
    %dma_wait3A_57 = arith.constant 0 : i32
    %dma_wait3A_58 = arith.constant 0 : i32
    %dma_wait3A_59 = tpu.memref_slice %arg8[%dma_wait3A_46, %dma_wait3A_57, %dma_wait3A_58] : memref<4x128x128xf32, #tpu.memory_space<vmem>> -> memref<1x128x128xf32, #tpu.memory_space<vmem>>
    %dma_wait3A_60 = tpu.memref_squeeze %dma_wait3A_59 : memref<1x128x128xf32, #tpu.memory_space<vmem>> -> memref<128x128xf32, #tpu.memory_space<vmem>>
    tpu.wait_dma2 semaphore(%arg14 : memref<!tpu.dma_semaphore, #tpu.memory_space<semaphore_mem>>) src(%dma_wait3A_60 : memref<128x128xf32, #tpu.memory_space<vmem>>) dst(%dma_wait3A_56 : memref<128x128xf32, #tpu.memory_space<hbm>>)
    %dma_wait3A_61 = arith.constant 2 : i32
    %dma_wait3A_62 = arith.constant 0 : i32
    %dma_wait3A_63 = arith.constant 0 : i32
    %dma_wait3A_64 = tpu.memref_slice %arg8[%dma_wait3A_61, %dma_wait3A_62, %dma_wait3A_63] : memref<4x128x128xf32, #tpu.memory_space<vmem>> -> memref<1x128x128xf32, #tpu.memory_space<vmem>>
    %dma_wait3A_65 = tpu.memref_squeeze %dma_wait3A_64 : memref<1x128x128xf32, #tpu.memory_space<vmem>> -> memref<128x128xf32, #tpu.memory_space<vmem>>
    %dma_wait3A_66 = arith.constant 0 : i32
    %dma_wait3A_67 = arith.constant 0 : i32
    %dma_wait3A_68 = tpu.memref_slice %arg5[%dma_wait3A_66, %dma_wait3A_67] : memref<819200x128xf32, #tpu.memory_space<hbm>> -> memref<128x128xf32, #tpu.memory_space<hbm>>
    %dma_wait3A_69 = arith.constant 0 : i32
    %dma_wait3A_70 = arith.constant 0 : i32
    %dma_wait3A_71 = tpu.memref_slice %arg5[%dma_wait3A_69, %dma_wait3A_70] : memref<819200x128xf32, #tpu.memory_space<hbm>> -> memref<128x128xf32, #tpu.memory_space<hbm>>
    %dma_wait3A_72 = arith.constant 0 : i32
    %dma_wait3A_73 = arith.constant 0 : i32
    %dma_wait3A_74 = tpu.memref_slice %arg8[%dma_wait3A_61, %dma_wait3A_72, %dma_wait3A_73] : memref<4x128x128xf32, #tpu.memory_space<vmem>> -> memref<1x128x128xf32, #tpu.memory_space<vmem>>
    %dma_wait3A_75 = tpu.memref_squeeze %dma_wait3A_74 : memref<1x128x128xf32, #tpu.memory_space<vmem>> -> memref<128x128xf32, #tpu.memory_space<vmem>>
    tpu.wait_dma2 semaphore(%arg15 : memref<!tpu.dma_semaphore, #tpu.memory_space<semaphore_mem>>) src(%dma_wait3A_75 : memref<128x128xf32, #tpu.memory_space<vmem>>) dst(%dma_wait3A_71 : memref<128x128xf32, #tpu.memory_space<hbm>>)
    %dma_wait3A_76 = arith.constant 3 : i32
    %dma_wait3A_77 = arith.constant 0 : i32
    %dma_wait3A_78 = arith.constant 0 : i32
    %dma_wait3A_79 = tpu.memref_slice %arg8[%dma_wait3A_76, %dma_wait3A_77, %dma_wait3A_78] : memref<4x128x128xf32, #tpu.memory_space<vmem>> -> memref<1x128x128xf32, #tpu.memory_space<vmem>>
    %dma_wait3A_80 = tpu.memref_squeeze %dma_wait3A_79 : memref<1x128x128xf32, #tpu.memory_space<vmem>> -> memref<128x128xf32, #tpu.memory_space<vmem>>
    %dma_wait3A_81 = arith.constant 0 : i32
    %dma_wait3A_82 = arith.constant 0 : i32
    %dma_wait3A_83 = tpu.memref_slice %arg5[%dma_wait3A_81, %dma_wait3A_82] : memref<819200x128xf32, #tpu.memory_space<hbm>> -> memref<128x128xf32, #tpu.memory_space<hbm>>
    %dma_wait3A_84 = arith.constant 0 : i32
    %dma_wait3A_85 = arith.constant 0 : i32
    %dma_wait3A_86 = tpu.memref_slice %arg5[%dma_wait3A_84, %dma_wait3A_85] : memref<819200x128xf32, #tpu.memory_space<hbm>> -> memref<128x128xf32, #tpu.memory_space<hbm>>
    %dma_wait3A_87 = arith.constant 0 : i32
    %dma_wait3A_88 = arith.constant 0 : i32
    %dma_wait3A_89 = tpu.memref_slice %arg8[%dma_wait3A_76, %dma_wait3A_87, %dma_wait3A_88] : memref<4x128x128xf32, #tpu.memory_space<vmem>> -> memref<1x128x128xf32, #tpu.memory_space<vmem>>
    %dma_wait3A_90 = tpu.memref_squeeze %dma_wait3A_89 : memref<1x128x128xf32, #tpu.memory_space<vmem>> -> memref<128x128xf32, #tpu.memory_space<vmem>>
    tpu.wait_dma2 semaphore(%arg16 : memref<!tpu.dma_semaphore, #tpu.memory_space<semaphore_mem>>) src(%dma_wait3A_90 : memref<128x128xf32, #tpu.memory_space<vmem>>) dst(%dma_wait3A_86 : memref<128x128xf32, #tpu.memory_space<hbm>>)
    return
  }
}

</mosaic_0001>

<sc_bundles>
// kernel: kernel.3.cloned.1.call-start
scs
__scs_entry_jumppad:
0x0: {  	(pc) =	sbr.rel $0x88, $3  }
0x1: {  	(tag) =	ssettag $0x0;
	lr =	simm.s32 $0x1  }
0x2: {  	[smem:$0x3F9E] =	sst lr;
	_ =	strace $0xD0000000  }
0x3: {  	_ = 	snop  }
0x4: {  	_ = 	snop  }
0x5: {  	_ = 	snop  }
0x6: {  	_ = 	snop  }
0x7: {  	_ = 	snop  }
__scs_overlays_trampoline_lowered:
0x8: {  	[smem:$0x3FAD] =	sst s0  }
0x9: {  	[smem:$0x3FAE] =	sst s1  }
0xa: {  	[smem:$0x3FAF] =	sst s2  }
0xb: {  	[smem:$0x3FB0] =	sst s3  }
0xc: {  	[smem:$0x3FB1] =	sst s4  }
0xd: {  	[smem:$0x3FB2] =	sst s5  }
0xe: {  	[smem:$0x3FB3] =	sst s6  }
0xf: {  	[smem:$0x3FB4] =	sst s7  }
0x10: {  	[smem:$0x3FB5] =	sst s8  }
0x11: {  	[smem:$0x3FB6] =	sst s9;
	s0 =	simm.s32 @!p0 $0x0  }
0x12: {  	s1 =	sld [smem:$0x3F9C];
	s0 =	simm.s32 @p0 $0x1  }
0x13: {  	[smem:$0x3FB7] =	sst s0;
	s0 =	simm.s32 @!p1 $0x0  }
0x14: {  	s2 =	sld [smem:$0x3F9B];
	s0 =	simm.s32 @p1 $0x1  }
0x15: {  	[smem:$0x3FB8] =	sst s0;
	s0 =	simm.s32 @!p2 $0x0  }
0x16: {  	s3 =	sld [smem:$0x3FDB];
	s0 =	simm.s32 @p2 $0x1  }
0x17: {  	s4 =	simm.s32 $0x1BF5;
	[smem:$0x3FBA] =	sst s0  }
0x18: {  	s0 =	sld [smem:$0x3F9D];
	_ =	swait.ge [sflag:s4], $0x0  }
0x19: {  	s7 =	sld [smem:$0x3F9E]  }
0x1a: {  	s8 =	sadd.s32 $0xFFFFE003, lr  }
0x1b: {  	s9 =	sadd.s32 $0xFFFFFEF7, lr;
	s5 =	simm.s32 $0xFFFFFFFF;
	p2 =	slt.u32 s8, $0xFFFFF086  }
0x1c: {  	p1 =	slt.u32 s9, $0xF7A;
	s5 =	simm.s32 @!p2 $0x0  }
0x1d: {  	s5 =	simm.s32 @p1 $0x1;
	p0 =	seq.s32 s7, s2  }
0x1e: {  	s7 =	smul.u32 @!p0 $0xF7A, s2;
	p2 =	seq.s32 @!p0 s5, $0x0  }
0x1f: {  	s9 =	smul.u32 $0xF7A, s1;
	s8 =	simm.s32 @!p0 $0x1BF5;
	p2 =	por !p2, p0  }
0x20: {  	[sflag:s8] =	ssyncset.s32 @!p0 $0xFFFFF086;
	s6 =	sadd.s32 @!p0 s3, s7;
	s7 =	simm.s32 @!p0 $0x108  }
0x21: {  	s3 =	sadd.s32 s3, s9;
	s6 =	sadd.s32 @!p0 $0x88, s6;
	s7 =	simm.s32 @p2 $0x1082  }
0x22: {  	[simem:s7], [sflag:s8] =	dma.local @!p0 [hbm:s6], $0xF7A  }
0x23: {  	s9 =	sor.u32 $0xD0000000, s2;
	s6 =	simm.s32 $0x108;
	_ =	swait.ge @!p0 [sflag:s8], $0x0  }
0x24: {  	s3 =	sadd.s32 $0x88, s3;
	s6 =	simm.s32 @!p1 $0x1082;
	[sflag:s4] =	ssyncset.s32 $0xFFFFF086  }
0x25: {  	[simem:s6], [sflag:s4] =	dma.local [hbm:s3], $0xF7A  }
0x26: {  	[smem:$0x3F9E] =	sst s1;
	(tag) =	ssettag s2;
	_ =	strace s9  }
0x27: {  	s1 =	sld [smem:$0x3FAE]  }
0x28: {  	s2 =	sld [smem:$0x3FAF]  }
0x29: {  	s4 =	sld [smem:$0x3FB1]  }
0x2a: {  	p0 =	seq.s32 s5, $0x0;
	s5 =	sld [smem:$0x3FB2]  }
0x2b: {  	s6 =	sld [smem:$0x3FB3]  }
0x2c: {  	s7 =	sld [smem:$0x3FB4]  }
0x2d: {  	s3 =	simm.s32 $0x108;
	s8 =	sld [smem:$0x3FB5]  }
0x2e: {  	s3 =	simm.s32 @!p0 $0x1082;
	s9 =	sld [smem:$0x3FB6]  }
0x2f: {  	lr =	sadd.s32 s0, s3;
	s0 =	sld [smem:$0x3FAD]  }
0x30: {  	s3 =	sld [smem:$0x3FB0]  }
0x31: {  	[smem:$0x3FB9] =	sst s10  }
0x32: {  	s10 =	sld [smem:$0x3FB7];
	_ =	sdelay $0x3  }
0x33: {  	p0 =	seq.s32 s10, $0x1;
	s10 =	sld [smem:$0x3FB9];
	_ =	sdelay $0x3  }
0x34: {  	[smem:$0x3FB9] =	sst s10  }
0x35: {  	s10 =	sld [smem:$0x3FB8];
	_ =	sdelay $0x3  }
0x36: {  	p1 =	seq.s32 s10, $0x1;
	s10 =	sld [smem:$0x3FB9];
	_ =	sdelay $0x3  }
0x37: {  	[smem:$0x3FB9] =	sst s10  }
0x38: {  	s10 =	sld [smem:$0x3FBA]  }
0x39: {  	_ = 	snop;
	(pc) =	sbr.ind lr, $3  }
0x3a: {  	_ = 	snop  }
0x3b: {  	_ = 	snop  }
0x3c: {  	p2 =	seq.s32 s10, $0x1;
	s10 =	sld [smem:$0x3FB9]  }
0x3d: {  	_ =	shalt  }
0x3e: {  	_ =	shalt  }
0x3f: {  	_ =	shalt  }
0x40: {  	_ =	shalt  }
0x41: {  	_ =	shalt  }
0x42: {  	_ =	shalt  }
0x43: {  	_ =	shalt  }
0x44: {  	_ =	shalt  }
0x45: {  	_ =	shalt  }
0x46: {  	_ =	shalt  }
0x47: {  	_ =	shalt  }
0x48: {  	_ =	shalt  }
0x49: {  	_ =	shalt  }
0x4a: {  	_ =	shalt  }
0x4b: {  	_ =	shalt  }
0x4c: {  	_ =	shalt  }
0x4d: {  	_ =	shalt  }
0x4e: {  	_ =	shalt  }
0x4f: {  	_ =	shalt  }
0x50: {  	_ =	shalt  }
0x51: {  	_ =	shalt  }
0x52: {  	_ =	shalt  }
0x53: {  	_ =	shalt  }
0x54: {  	_ =	shalt  }
0x55: {  	_ =	shalt  }
0x56: {  	_ =	shalt  }
0x57: {  	_ =	shalt  }
0x58: {  	_ =	shalt  }
0x59: {  	_ =	shalt  }
0x5a: {  	_ =	shalt  }
0x5b: {  	_ =	shalt  }
0x5c: {  	_ =	shalt  }
0x5d: {  	_ =	shalt  }
0x5e: {  	_ =	shalt  }
0x5f: {  	_ =	shalt  }
0x60: {  	_ =	shalt  }
0x61: {  	_ =	shalt  }
0x62: {  	_ =	shalt  }
0x63: {  	_ =	shalt  }
0x64: {  	_ =	shalt  }
0x65: {  	_ =	shalt  }
0x66: {  	_ =	shalt  }
0x67: {  	_ =	shalt  }
0x68: {  	_ =	shalt  }
0x69: {  	_ =	shalt  }
0x6a: {  	_ =	shalt  }
0x6b: {  	_ =	shalt  }
0x6c: {  	_ =	shalt  }
0x6d: {  	_ =	shalt  }
0x6e: {  	_ =	shalt  }
0x6f: {  	_ =	shalt  }
0x70: {  	_ =	shalt  }
0x71: {  	_ =	shalt  }
0x72: {  	_ =	shalt  }
0x73: {  	_ =	shalt  }
0x74: {  	_ =	shalt  }
0x75: {  	_ =	shalt  }
0x76: {  	_ =	shalt  }
0x77: {  	_ =	shalt  }
0x78: {  	_ =	shalt  }
0x79: {  	_ =	shalt  }
0x7a: {  	_ =	shalt  }
0x7b: {  	_ =	shalt  }
0x7c: {  	_ =	shalt  }
0x7d: {  	_ =	shalt  }
0x7e: {  	_ =	shalt  }
0x7f: {  	_ =	shalt  }
0x80: {  	_ =	shalt  }
0x81: {  	_ =	shalt  }
0x82: {  	_ =	shalt  }
0x83: {  	_ =	shalt  }
0x84: {  	_ =	shalt  }
0x85: {  	_ =	shalt  }
0x86: {  	_ =	shalt  }
0x87: {  	_ =	shalt  }
.Lfunc_end0:
.L_simem_size_0:
called_computation_lowered:
.L_overlay_start_0:
0x88: {  	s2 =	sld [smem:$0x3FD9]  }
0x89: {  	s3 =	sld [smem:$0x3FFE];
	_ =	sdelay $0x1  }
0x8a: {  	s1 =	srdreg.scid  }
0x8b: {  	s0 =	sand.u32 $0x1, s1  }
0x8c: {  	s17 =	sshll.u32 s0, $0xA;
	s2 =	sadd.s32 s3, s2  }
0x8d: {  	s2 =	sadd.s32 s2, s17  }
0x8e: {  	[smem:$0x3FC5] =	sst s2  }
0x8f: {  	_ = 	snop  }
0x90: {  	s2 =	sld [smem:$0x3FC8]  }
0x91: {  	s18 =	sld [smem:$0x3FC7]  }
0x92: {  	s4 =	sld [smem:$0x3FD0];
	(tm) =	ssettm $0x1  }
0x93: {  	s5 =	sld [smem:$0x3FFB];
	_ =	sdelay $0x3  }
0x94: {  	_ =	strace s5  }
0x95: {  	s5 =	sld [smem:$0x3FFC];
	_ =	sdelay $0x3  }
0x96: {  	_ =	strace s5  }
0x97: {  	s5 =	sld [smem:$0x3FFD];
	_ =	sdelay $0x3  }
0x98: {  	_ =	strace s5  }
0x99: {  	_ =	strace $0x8FFFFFFF  }
0x9a: {  	s19 =	sld [smem:$0x3FDB];
	_ =	sdelay $0x1  }
0x9b: {  	s6 =	simm.s32 $_scs_section_size  }
0x9c: {  	s7 =	simm.s32 $_size__tile_overlayer_lowered;
	s8 =	simm.s32 $_tile_overlayer_lowered  }
0x9d: {  	s22 =	simm.s32 $0x1BFF;
	s21 =	sshll.u32 s8, $0x1;
	s5 =	sadd.s32 s6, s19  }
0x9e: {  	s9 =	simm.s32 $0x0;
	s20 =	sshll.u32 s7, $0x1;
	s7 =	sadd.s32 s21, s5  }
0x9f: {  	[timem:s9], [sflag:s22] =	dma.local [hbm:s7], s20  }
0xa0: {  	_ =	swait.ge [sflag:s22], s20  }
0xa1: {  	s6 =	ssub.s32 $0x0, s20;
	[sflag:s22] =	ssyncset.done $0x0  }
0xa2: {  	[sflag:s22] =	ssyncadd.s32 s6;
	_ =	sdelay $0x1  }
0xa3: {  	s23 =	simm.s32 $0x1B8B  }
0xa4: {  	_ =	swait.ge [sflag:s23], $0x1  }
0xa5: {  	[sflag:s23] =	ssyncset.done $0x0  }
0xa6: {  	s25 =	simm.s32 $0x1B8E;
	s24 =	sld [smem:$0x3FFE];
	[sflag:s23] =	ssyncadd.s32 $0xFFFFFFFF  }
0xa7: {  	s26 =	simm.s32 $execute0_lowered;
	[smem:$0x3FD2] =	sst s25  }
0xa8: {  	s7 =	sshll.u32 s26, $0x1;
	_ =	strace $0x80000046;
	[dreg:$0x1] =	wrdreg $0xFFFFFFFF  }
0xa9: {  	s28 =	simm.s32 $_size_execute0_lowered;
	s5 =	sadd.s32 s5, s7;
	[dreg:$0x0] =	wrdreg $0x0  }
0xaa: {  	s7 =	sshll.u32 s28, $0x1;
	[dreg:$0x2] =	wrdreg s5  }
0xab: {  	[dreg:$0x3] =	wrdreg s7  }
0xac: {  	[dreg:$0x4] =	wrdreg $0xC0  }
0xad: {  	_ =	task [dreg:s9], $0x5FFFF  }
0xae: {  	[dreg:$0x1] =	wrdreg $0xFFFFFFFF  }
0xaf: {  	[dreg:$0x0] =	wrdreg $0x60  }
0xb0: {  	[dreg:$0x2] =	wrdreg s24  }
0xb1: {  	[dreg:$0x3] =	wrdreg s2  }
0xb2: {  	[dreg:$0x4] =	wrdreg s18  }
0xb3: {  	[dreg:$0x5] =	wrdreg s4  }
0xb4: {  	[dreg:$0x6] =	wrdreg $0x9  }
0xb5: {  	_ =	task.clear_ibuf [dreg:s9], $0x7FFFF;
	_ =	strace $0x90000046  }
0xb6: {  	s29 =	simm.s32 $0x9;
	_ =	strace $0x80000048  }
0xb7: {  	_ =	swait.ge [sflag:s29], $0x1  }
0xb8: {  	[sflag:s29] =	ssyncadd.s32 $0xFFFFFFFF  }
0xb9: {  	_ =	strace $0x90000048  }
0xba: {  	_ =	sfence  }
0xbb: {  	s30 =	sld [smem:$0x0];
	_ =	sdelay $0x2  }
0xbc: {  	s31 =	sshll.u32 s1, $0xD;
	s1 =	sshrl.u32 s1, $0x2  }
0xbd: {  	s3 =	sand.u32 $0x4000, s31;
	s1 =	sadd.s32 s1, s30  }
0xbe: {  	s0 =	sor.u32 s3, s0;
	s1 =	sshll.u32 s1, $0x11  }
0xbf: {  	s0 =	sor.u32 s1, s0  }
0xc0: {  	s0 =	sadd.s32 $0x8F2B, s0  }
0xc1: {  	[sflag:s0] =	ssyncadd.remote.s32 $0x1  }
0xc2: {  	_ =	sfence.sel $0xFFFF  }
0xc3: {  	[dreg:$0x0] =	wrdreg $0xFFFFFFFF;
	(pc) =	sbr.abs _section_cstart, $3  }
0xc4: {  	[dreg:$0x1] =	wrdreg $0xFFFFFFFF  }
0xc5: {  	_ =	task.clear_ibuf [dreg:s9], $0x2FFFF;
	_ =	strace $0x9FFFFFFF  }
0xc6: {  	(tm) =	ssettm $0x7FFFFFFF  }
0xc7: {  	_ =	shalt  }
tec
execute0_lowered:
.L_overlay_start_1:
0x0: {  	(tag) =	ssettag $0x1  }
0x1: {  	s0 =	srdreg.scid;
	s5 =	stileid.u32  }
0x2: {  	s4 =	rddreg [dreg:$0x0];
	s29 =	smul.u32 $0x1900000, s5  }
0x3: {  	s31 =	rddreg [dreg:$0x3];
	s9 =	smul.u32 $0xC800, s5  }
0x4: {  	s6 =	simm.s32 $0x0;
	s0 =	sand.u32 $0x1, s0;
	s13 =	smul.u32 $0x190, s5  }
0x5: {  	s1 =	sshll.u32 s5, $0x1;
	[smem:$0x7FF] =	sst s6;
	s8 =	smul.u32 $0xC80000, s0  }
0x6: {  	s1 =	sor.u32 s0, s1;
	s10 =	ssub.s32 $0x2, s0;
	s11 =	smul.u32 $0x6400, s0  }
0x7: {  	_ =	strace $0x80000047;
	s7 =	smul.u32 $0xC80, s1;
	s12 =	sshrl.u32 s10, $0x1  }
0x8: {  	s3 =	smul.u32 $0xC8, s1;
	s5 =	ssub.s32 s10, s12;
	s14 =	sadd.s32 s11, s9  }
0x9: {  	s1 =	sadd.s32 s8, s29;
	s10 =	smax.u32 s5, $0x1;
	[dreg:$0x8] =	wrdreg s14  }
0xa: {  	s0 =	smul.u32 $0xC8, s0;
	s12 =	sshrl.u32 s1, $0x2;
	[dreg:$0x6] =	wrdreg s10  }
0xb: {  	s19 =	sor.u32 $0x80, s14;
	[dreg:$0x7] =	wrdreg s12  }
0xc: {  	s0 =	sadd.s32 s0, s13;
	s24 =	sor.u32 $0x100, s14;
	[dreg:$0xc] =	wrdreg s19  }
0xd: {  	s4 =	sadd.s32 s7, s4;
	s29 =	sor.u32 $0x180, s14;
	[dreg:$0x10] =	wrdreg s24  }
0xe: {  	s15 =	sor.u32 $0x10000, s1;
	s2 =	sadd.s32 $0x400, s4;
	[dreg:$0x14] =	wrdreg s29  }
0xf: {  	s0 =	sshll.u32 s0, $0x7;
	s4 =	sshrl.u32 s15, $0x2;
	[dreg:$0x5] =	wrdreg s2  }
0x10: {  	s16 =	sor.u32 $0x10500, s1;
	s17 =	sor.u32 $0x80, s0;
	[dreg:$0x9] =	wrdreg s4  }
0x11: {  	s20 =	sor.u32 $0x20000, s1;
	s18 =	sshrl.u32 s16, $0x2;
	[dreg:$0xa] =	wrdreg s17  }
0x12: {  	s21 =	sor.u32 $0x20500, s1;
	s22 =	sor.u32 $0x100, s0;
	[dreg:$0xb] =	wrdreg s18  }
0x13: {  	s25 =	sor.u32 $0x30000, s1;
	s23 =	sshrl.u32 s21, $0x2;
	[dreg:$0xe] =	wrdreg s22  }
0x14: {  	s1 =	sor.u32 $0x30500, s1;
	s0 =	sor.u32 $0x180, s0;
	[dreg:$0xf] =	wrdreg s23  }
0x15: {  	s26 =	sshrl.u32 s1, $0x2;
	[dreg:$0x12] =	wrdreg s0  }
0x16: {  	s30 =	simm.s32 $0x14800;
	s4 =	sshrl.u32 s20, $0x2;
	[dreg:$0x13] =	wrdreg s26  }
0x17: {  	s28 =	simm.s32 $0x18800;
	[dreg:$0xd] =	wrdreg s4;
	s4 =	sshrl.u32 s25, $0x2  }
0x18: {  	s5 =	simm.s32 $0x80;
	s2 =	simm.s32 $0x0;
	[dreg:$0x11] =	wrdreg s4  }
.LBB2_1:
0x19: {  	[dreg:$0x15] =	wrdreg s2  }
0x1a: {  	s0 =	rddreg [dreg:$0x5];
	s1 =	simm.s32 $0x6400;
	s22 =	simm.s32 $0x9  }
0x1b: {  	[tilespmem:s1], [sflag:$0x9] =	stream.linear.gather [hbm4b:s0+s6], $0x6400, $0x38;
	[tilespmem:$0x1C800] =	vst v63  }
0x1c: {  	_ =	swait.ge [sflag:s22], $0x6400  }
0x1d: {  	[sflag:s22] =	ssyncset.done $0x0  }
0x1e: {  	[sflag:s22] =	ssyncadd.s32 $0xFFFF9C00  }
0x1f: {  	s23 =	rddreg [dreg:$0x2]  }
0x20: {  	[tilespmem:s6], [sflag:$0x9] =	stream.linear.gather [hbm4b:s23+s6], $0x6400, $0x38;
	[tilespmem:$0x1C800] =	vst v63  }
0x21: {  	_ =	swait.ge [sflag:s22], $0x6400  }
0x22: {  	s21 =	rddreg [dreg:$0x13]  }
0x23: {  	s20 =	rddreg [dreg:$0x12]  }
0x24: {  	s19 =	rddreg [dreg:$0x11]  }
0x25: {  	s18 =	rddreg [dreg:$0x10]  }
0x26: {  	s17 =	rddreg [dreg:$0xf]  }
0x27: {  	s16 =	rddreg [dreg:$0xe]  }
0x28: {  	s15 =	rddreg [dreg:$0xd]  }
0x29: {  	s14 =	rddreg [dreg:$0xc]  }
0x2a: {  	s13 =	rddreg [dreg:$0xb]  }
0x2b: {  	s12 =	rddreg [dreg:$0xa]  }
0x2c: {  	s10 =	rddreg [dreg:$0x9]  }
0x2d: {  	[sflag:s22] =	ssyncset.done $0x0;
	s7 =	rddreg [dreg:$0x8]  }
0x2e: {  	s8 =	rddreg [dreg:$0x7];
	[sflag:s22] =	ssyncadd.s32 $0xFFFF9C00  }
0x2f: {  	s25 =	simm.s32 $0xC800;
	s26 =	simm.s32 $0x6480;
	s24 =	rddreg [dreg:$0x1]  }
0x30: {  	[tilespmem:s25], [sflag:$0x1] =	stream.indirect.gather [hbm4b:s24+s5], $0x80, s1, s5, $0xb8;
	[tilespmem:$0x1C800] =	vst v63  }
0x31: {  	s29 =	simm.s32 $0x10800;
	s23 =	simm.s32 $0x0;
	s22 =	rddreg [dreg:$0x14]  }
0x32: {  	[tilespmem:s29], [sflag:$0x2] =	stream.indirect.gather [hbm4b:s24+s5], $0x80, s26, s5, $0xb8;
	[tilespmem:$0x1C800] =	vst v63  }
.LBB2_2:
0x33: {  	p0 =	seq.s32 s23, $0x0  }
0x34: {  	s11 =	sshll.u32 s23, $0x2;
	s0 =	simm.s32 @!p0 $0x7  }
0x35: {  	s1 =	smulhi.u32 $0x51EB851F, s7;
	s24 =	sor.u32 $0x2, s11;
	_ =	swait.ge @!p0 [sflag:s0], $0x4000  }
0x36: {  	s29 =	sadd.s32 $0x4, s7;
	s4 =	sshll.u32 s24, $0x7;
	[sflag:s0] =	ssyncset.done @!p0 $0x0  }
0x37: {  	s1 =	sshrl.u32 s1, $0x6;
	s4 =	sand.u32 $0x3FFFFF80, s4;
	[sflag:s0] =	ssyncadd.s32 @!p0 $0xFFFFC000  }
0x38: {  	s1 =	smul.u32 $0xFFFE7000, s1;
	s9 =	sadd.s32 $0x6400, s4;
	s2 =	rddreg [dreg:$0x1]  }
0x39: {  	[tilespmem:s30], [sflag:$0x3] =	stream.indirect.gather [hbm4b:s2+s5], $0x80, s9, s5, $0xb8;
	[tilespmem:$0x1C800] =	vst v63  }
0x3a: {  	s25 =	simm.s32 $0x1;
	s30 =	smulhi.u32 $0x51EB851F, s29  }
0x3b: {  	s26 =	sshra.s32 s1, $0x2;
	_ =	swait.ge [sflag:s25], $0x4000  }
0x3c: {  	s0 =	sadd.s32 s26, s8;
	[sflag:s25] =	ssyncset.done $0x0;
	s1 =	sshrl.u32 s30, $0x6  }
0x3d: {  	s0 =	sadd.s32 $0x0, s0;
	[sflag:s25] =	ssyncadd.s32 $0xFFFFC000;
	s1 =	smul.u32 $0xFFFE7000, s1  }
0x3e: {  	v0 =	vld [tilespmem:s0+$0x180]  }
0x3f: {  	v1 =	vld [tilespmem:s0+$0x0];
	s1 =	sshra.s32 s1, $0x2  }
0x40: {  	v2 =	vld [tilespmem:s0+$0x80];
	s1 =	sadd.s32 s1, s8  }
0x41: {  	v3 =	vld [tilespmem:s0+$0x100];
	s26 =	sadd.s32 $0x200, s1  }
0x42: {  	v4 =	vld [tilespmem:s26+$0x0]  }
0x43: {  	v5 =	vld [tilespmem:s26+$0x80]  }
0x44: {  	s9 =	simm.s32 $0x0;
	v6 =	vld [tilespmem:s26+$0x100]  }
0x45: {  	[tilespmem:s9+$0xC980] =	vst.add.f32.msk $0xffff, v0  }
0x46: {  	[tilespmem:s9+$0xC800] =	vst.add.f32.msk $0xffff, v1  }
0x47: {  	[tilespmem:s9+$0xC880] =	vst.add.f32.msk $0xffff, v2  }
0x48: {  	[tilespmem:s9+$0xC900] =	vst.add.f32.msk $0xffff, v3  }
0x49: {  	v0 =	vld [tilespmem:s0+$0x190]  }
0x4a: {  	v1 =	vld [tilespmem:s0+$0x10]  }
0x4b: {  	v2 =	vld [tilespmem:s0+$0x90]  }
0x4c: {  	s1 =	simm.s32 $0x200;
	v3 =	vld [tilespmem:s0+$0x110]  }
0x4d: {  	[tilespmem:s1+$0xC800] =	vst.add.f32.msk $0xffff, v4  }
0x4e: {  	[tilespmem:s1+$0xC880] =	vst.add.f32.msk $0xffff, v5  }
0x4f: {  	[tilespmem:s1+$0xC900] =	vst.add.f32.msk $0xffff, v6  }
0x50: {  	v61 =	vld [tilespmem:s26+$0x90]  }
0x51: {  	v62 =	vld [tilespmem:s26+$0x110]  }
0x52: {  	[tilespmem:s9+$0xC990] =	vst.add.f32.msk $0xffff, v0  }
0x53: {  	[tilespmem:s9+$0xC810] =	vst.add.f32.msk $0xffff, v1  }
0x54: {  	[tilespmem:s9+$0xC890] =	vst.add.f32.msk $0xffff, v2  }
0x55: {  	[tilespmem:s9+$0xC910] =	vst.add.f32.msk $0xffff, v3  }
0x56: {  	v0 =	vld [tilespmem:s0+$0x1A0]  }
0x57: {  	v1 =	vld [tilespmem:s0+$0x20]  }
0x58: {  	v2 =	vld [tilespmem:s0+$0xA0]  }
0x59: {  	v3 =	vld [tilespmem:s0+$0x120]  }
0x5a: {  	[tilespmem:s1+$0xC890] =	vst.add.f32.msk $0xffff, v61  }
0x5b: {  	[tilespmem:s1+$0xC910] =	vst.add.f32.msk $0xffff, v62  }
0x5c: {  	v4 =	vld [tilespmem:s26+$0xA0]  }
0x5d: {  	v5 =	vld [tilespmem:s26+$0x120]  }
0x5e: {  	[tilespmem:s9+$0xC9A0] =	vst.add.f32.msk $0xffff, v0  }
0x5f: {  	[tilespmem:s9+$0xC820] =	vst.add.f32.msk $0xffff, v1  }
0x60: {  	[tilespmem:s9+$0xC8A0] =	vst.add.f32.msk $0xffff, v2  }
0x61: {  	[tilespmem:s9+$0xC920] =	vst.add.f32.msk $0xffff, v3  }
0x62: {  	v2 =	vld [tilespmem:s0+$0xB0]  }
0x63: {  	v3 =	vld [tilespmem:s0+$0x130]  }
0x64: {  	v0 =	vld [tilespmem:s0+$0x1B0]  }
0x65: {  	v1 =	vld [tilespmem:s0+$0x30]  }
0x66: {  	[tilespmem:s1+$0xC8A0] =	vst.add.f32.msk $0xffff, v4  }
0x67: {  	[tilespmem:s9+$0xC8B0] =	vst.add.f32.msk $0xffff, v2  }
0x68: {  	[tilespmem:s9+$0xC930] =	vst.add.f32.msk $0xffff, v3  }
0x69: {  	v2 =	vld [tilespmem:s0+$0xC0]  }
0x6a: {  	v3 =	vld [tilespmem:s0+$0x140]  }
0x6b: {  	[tilespmem:s1+$0xC920] =	vst.add.f32.msk $0xffff, v5  }
0x6c: {  	[tilespmem:s9+$0xC9B0] =	vst.add.f32.msk $0xffff, v0  }
0x6d: {  	v0 =	vld [tilespmem:s0+$0x1C0]  }
0x6e: {  	[tilespmem:s9+$0xC8C0] =	vst.add.f32.msk $0xffff, v2  }
0x6f: {  	[tilespmem:s9+$0xC940] =	vst.add.f32.msk $0xffff, v3  }
0x70: {  	v2 =	vld [tilespmem:s0+$0x150]  }
0x71: {  	v4 =	vld [tilespmem:s26+$0xB0]  }
0x72: {  	[tilespmem:s9+$0xC9C0] =	vst.add.f32.msk $0xffff, v0  }
0x73: {  	v0 =	vld [tilespmem:s0+$0x1D0]  }
0x74: {  	[tilespmem:s9+$0xC830] =	vst.add.f32.msk $0xffff, v1  }
0x75: {  	[tilespmem:s9+$0xC950] =	vst.add.f32.msk $0xffff, v2  }
0x76: {  	v2 =	vld [tilespmem:s0+$0x160]  }
0x77: {  	v1 =	vld [tilespmem:s0+$0x40]  }
0x78: {  	[tilespmem:s9+$0xC9D0] =	vst.add.f32.msk $0xffff, v0  }
0x79: {  	v0 =	vld [tilespmem:s0+$0x1E0]  }
0x7a: {  	v5 =	vld [tilespmem:s26+$0x130]  }
0x7b: {  	[tilespmem:s9+$0xC960] =	vst.add.f32.msk $0xffff, v2  }
0x7c: {  	v2 =	vld [tilespmem:s26+$0x180]  }
0x7d: {  	[tilespmem:s9+$0xC840] =	vst.add.f32.msk $0xffff, v1  }
0x7e: {  	[tilespmem:s9+$0xC9E0] =	vst.add.f32.msk $0xffff, v0  }
0x7f: {  	v0 =	vld [tilespmem:s0+$0x50]  }
0x80: {  	[tilespmem:s1+$0xC8B0] =	vst.add.f32.msk $0xffff, v4  }
0x81: {  	[tilespmem:s1+$0xC980] =	vst.add.f32.msk $0xffff, v2  }
0x82: {  	v2 =	vld [tilespmem:s26+$0x190]  }
0x83: {  	v3 =	vld [tilespmem:s0+$0x1F0]  }
0x84: {  	[tilespmem:s9+$0xC850] =	vst.add.f32.msk $0xffff, v0  }
0x85: {  	v0 =	vld [tilespmem:s0+$0x60]  }
0x86: {  	[tilespmem:s1+$0xC930] =	vst.add.f32.msk $0xffff, v5  }
0x87: {  	[tilespmem:s1+$0xC990] =	vst.add.f32.msk $0xffff, v2  }
0x88: {  	v2 =	vld [tilespmem:s26+$0x1A0]  }
0x89: {  	[tilespmem:s9+$0xC9F0] =	vst.add.f32.msk $0xffff, v3  }
0x8a: {  	[tilespmem:s9+$0xC860] =	vst.add.f32.msk $0xffff, v0  }
0x8b: {  	v3 =	vld [tilespmem:s0+$0x70]  }
0x8c: {  	v4 =	vld [tilespmem:s26+$0xC0]  }
0x8d: {  	[tilespmem:s1+$0xC9A0] =	vst.add.f32.msk $0xffff, v2  }
0x8e: {  	v2 =	vld [tilespmem:s26+$0x1B0]  }
0x8f: {  	v5 =	vld [tilespmem:s26+$0x140]  }
0x90: {  	[tilespmem:s9+$0xC870] =	vst.add.f32.msk $0xffff, v3  }
0x91: {  	v3 =	vld [tilespmem:s26+$0x10]  }
0x92: {  	v1 =	vld [tilespmem:s0+$0xD0]  }
0x93: {  	[tilespmem:s1+$0xC9B0] =	vst.add.f32.msk $0xffff, v2  }
0x94: {  	v2 =	vld [tilespmem:s26+$0x1C0]  }
0x95: {  	[tilespmem:s1+$0xC8C0] =	vst.add.f32.msk $0xffff, v4  }
0x96: {  	[tilespmem:s1+$0xC810] =	vst.add.f32.msk $0xffff, v3  }
0x97: {  	v3 =	vld [tilespmem:s26+$0x20]  }
0x98: {  	[tilespmem:s1+$0xC940] =	vst.add.f32.msk $0xffff, v5  }
0x99: {  	[tilespmem:s1+$0xC9C0] =	vst.add.f32.msk $0xffff, v2  }
0x9a: {  	v2 =	vld [tilespmem:s26+$0x1D0]  }
0x9b: {  	[tilespmem:s9+$0xC8D0] =	vst.add.f32.msk $0xffff, v1  }
0x9c: {  	[tilespmem:s1+$0xC820] =	vst.add.f32.msk $0xffff, v3  }
0x9d: {  	v3 =	vld [tilespmem:s26+$0x30]  }
0x9e: {  	v1 =	vld [tilespmem:s0+$0xE0]  }
0x9f: {  	[tilespmem:s1+$0xC9D0] =	vst.add.f32.msk $0xffff, v2  }
0xa0: {  	v2 =	vld [tilespmem:s26+$0x1E0]  }
0xa1: {  	v63 =	vld [tilespmem:s26+$0x150]  }
0xa2: {  	[tilespmem:s1+$0xC830] =	vst.add.f32.msk $0xffff, v3  }
0xa3: {  	v3 =	vld [tilespmem:s26+$0x40]  }
0xa4: {  	[tilespmem:s9+$0xC8E0] =	vst.add.f32.msk $0xffff, v1  }
0xa5: {  	[tilespmem:s1+$0xC9E0] =	vst.add.f32.msk $0xffff, v2  }
0xa6: {  	v2 =	vld [tilespmem:s26+$0x1F0]  }
0xa7: {  	v1 =	vld [tilespmem:s0+$0xF0]  }
0xa8: {  	[tilespmem:s1+$0xC840] =	vst.add.f32.msk $0xffff, v3  }
0xa9: {  	v3 =	vld [tilespmem:s26+$0x50]  }
0xaa: {  	[tilespmem:s1+$0xC950] =	vst.add.f32.msk $0xffff, v63  }
0xab: {  	[tilespmem:s1+$0xC9F0] =	vst.add.f32.msk $0xffff, v2  }
0xac: {  	v2 =	vld [tilespmem:s26+$0xD0]  }
0xad: {  	[tilespmem:s9+$0xC8F0] =	vst.add.f32.msk $0xffff, v1  }
0xae: {  	[tilespmem:s1+$0xC850] =	vst.add.f32.msk $0xffff, v3  }
0xaf: {  	v1 =	vld [tilespmem:s26+$0x60]  }
0xb0: {  	v0 =	vld [tilespmem:s0+$0x170]  }
0xb1: {  	s4 =	simm.s32 $0x800;
	[tilespmem:s1+$0xC8D0] =	vst.add.f32.msk $0xffff, v2  }
0xb2: {  	s29 =	sadd.s32 $0x4, s29;
	s25 =	sadd.s32 s3, s11;
	s0 =	simm.s32 $0x4;
	v2 =	vld [tilespmem:s26+$0xE0]  }
.LBB2_3:
0xb3: {  	s30 =	smulhi.u32 $0x51EB851F, s29;
	s0 =	sadd.s32 $0x4, s0;
	v3 =	vld [tilespmem:s26+$0x160]  }
0xb4: {  	p1 =	slt.u32 s0, $0x7C;
	[tilespmem:s1+$0xC860] =	vst.add.f32.msk $0xffff, v1  }
0xb5: {  	s30 =	sshrl.u32 s30, $0x6;
	v1 =	vld [tilespmem:s26+$0x70]  }
0xb6: {  	s30 =	smul.u32 $0xFFFE7000, s30;
	[tilespmem:s9+$0xC970] =	vst.add.f32.msk $0xffff, v0;
	s9 =	smov.u32 s1  }
0xb7: {  	[tilespmem:s9+$0xC8E0] =	vst.add.f32.msk $0xffff, v2  }
0xb8: {  	s4 =	sadd.s32 $0x800, s4;
	s1 =	sshra.s32 s30, $0x2;
	[tilespmem:s9+$0xC960] =	vst.add.f32.msk $0xffff, v3  }
0xb9: {  	s30 =	sadd.s32 s1, s8;
	s1 =	sshra.s32 s4, $0x2;
	v2 =	vld [tilespmem:s26+$0xF0]  }
0xba: {  	v0 =	vld [tilespmem:s26+$0x170];
	s26 =	sadd.s32 s1, s30  }
0xbb: {  	v3 =	vld [tilespmem:s26+$0x180]  }
0xbc: {  	v4 =	vld [tilespmem:s26+$0x0]  }
0xbd: {  	v5 =	vld [tilespmem:s26+$0x80]  }
0xbe: {  	v6 =	vld [tilespmem:s26+$0x100]  }
0xbf: {  	[tilespmem:s9+$0xC870] =	vst.add.f32.msk $0xffff, v1  }
0xc0: {  	[tilespmem:s1+$0xC980] =	vst.add.f32.msk $0xffff, v3  }
0xc1: {  	v1 =	vld [tilespmem:s26+$0x190]  }
0xc2: {  	[tilespmem:s1+$0xC800] =	vst.add.f32.msk $0xffff, v4  }
0xc3: {  	[tilespmem:s1+$0xC880] =	vst.add.f32.msk $0xffff, v5  }
0xc4: {  	[tilespmem:s1+$0xC900] =	vst.add.f32.msk $0xffff, v6  }
0xc5: {  	v3 =	vld [tilespmem:s26+$0x10]  }
0xc6: {  	[tilespmem:s1+$0xC990] =	vst.add.f32.msk $0xffff, v1  }
0xc7: {  	v1 =	vld [tilespmem:s26+$0x1A0]  }
0xc8: {  	v4 =	vld [tilespmem:s26+$0x90]  }
0xc9: {  	v5 =	vld [tilespmem:s26+$0x110]  }
0xca: {  	[tilespmem:s1+$0xC810] =	vst.add.f32.msk $0xffff, v3  }
0xcb: {  	v3 =	vld [tilespmem:s26+$0x20]  }
0xcc: {  	[tilespmem:s1+$0xC9A0] =	vst.add.f32.msk $0xffff, v1  }
0xcd: {  	v1 =	vld [tilespmem:s26+$0x1B0]  }
0xce: {  	[tilespmem:s1+$0xC890] =	vst.add.f32.msk $0xffff, v4  }
0xcf: {  	[tilespmem:s1+$0xC910] =	vst.add.f32.msk $0xffff, v5  }
0xd0: {  	v4 =	vld [tilespmem:s26+$0xA0]  }
0xd1: {  	v5 =	vld [tilespmem:s26+$0x120]  }
0xd2: {  	[tilespmem:s1+$0xC9B0] =	vst.add.f32.msk $0xffff, v1  }
0xd3: {  	v1 =	vld [tilespmem:s26+$0x1C0]  }
0xd4: {  	[tilespmem:s1+$0xC820] =	vst.add.f32.msk $0xffff, v3  }
0xd5: {  	[tilespmem:s1+$0xC8A0] =	vst.add.f32.msk $0xffff, v4  }
0xd6: {  	[tilespmem:s1+$0xC920] =	vst.add.f32.msk $0xffff, v5  }
0xd7: {  	v3 =	vld [tilespmem:s26+$0x30]  }
0xd8: {  	[tilespmem:s1+$0xC9C0] =	vst.add.f32.msk $0xffff, v1  }
0xd9: {  	v1 =	vld [tilespmem:s26+$0x1D0]  }
0xda: {  	v4 =	vld [tilespmem:s26+$0xB0]  }
0xdb: {  	v5 =	vld [tilespmem:s26+$0x130]  }
0xdc: {  	[tilespmem:s1+$0xC830] =	vst.add.f32.msk $0xffff, v3  }
0xdd: {  	v3 =	vld [tilespmem:s26+$0x40]  }
0xde: {  	[tilespmem:s1+$0xC9D0] =	vst.add.f32.msk $0xffff, v1  }
0xdf: {  	v1 =	vld [tilespmem:s26+$0x1E0]  }
0xe0: {  	[tilespmem:s1+$0xC8B0] =	vst.add.f32.msk $0xffff, v4  }
0xe1: {  	[tilespmem:s1+$0xC930] =	vst.add.f32.msk $0xffff, v5  }
0xe2: {  	v4 =	vld [tilespmem:s26+$0xC0]  }
0xe3: {  	v5 =	vld [tilespmem:s26+$0x140]  }
0xe4: {  	[tilespmem:s1+$0xC9E0] =	vst.add.f32.msk $0xffff, v1  }
0xe5: {  	v1 =	vld [tilespmem:s26+$0x1F0]  }
0xe6: {  	[tilespmem:s1+$0xC840] =	vst.add.f32.msk $0xffff, v3  }
0xe7: {  	[tilespmem:s1+$0xC8C0] =	vst.add.f32.msk $0xffff, v4  }
0xe8: {  	[tilespmem:s1+$0xC940] =	vst.add.f32.msk $0xffff, v5  }
0xe9: {  	v3 =	vld [tilespmem:s26+$0x50]  }
0xea: {  	[tilespmem:s1+$0xC9F0] =	vst.add.f32.msk $0xffff, v1  }
0xeb: {  	v4 =	vld [tilespmem:s26+$0xD0]  }
0xec: {  	v5 =	vld [tilespmem:s26+$0x150]  }
0xed: {  	[tilespmem:s9+$0xC8F0] =	vst.add.f32.msk $0xffff, v2  }
.Ltmp0:
0xee: {  	[tilespmem:s1+$0xC850] =	vst.add.f32.msk $0xffff, v3;
	(pc) =	sbr.rel @p1 .LBB2_3-.Ltmp0, $4  }
0xef: {  	v1 =	vld [tilespmem:s26+$0x60]  }
0xf0: {  	[tilespmem:s1+$0xC8D0] =	vst.add.f32.msk $0xffff, v4  }
0xf1: {  	[tilespmem:s1+$0xC950] =	vst.add.f32.msk $0xffff, v5  }
0xf2: {  	s29 =	sadd.s32 $0x4, s29;
	v2 =	vld [tilespmem:s26+$0xE0]  }
0xf3: {  	v3 =	vld [tilespmem:s26+$0x160];
	_ =	sdelay $0x1  }
0xf4: {  	[tilespmem:s1+$0xC860] =	vst.add.f32.msk $0xffff, v1  }
0xf5: {  	v1 =	vld [tilespmem:s26+$0x70]  }
0xf6: {  	[tilespmem:s1+$0xC8E0] =	vst.add.f32.msk $0xffff, v2  }
0xf7: {  	[tilespmem:s1+$0xC960] =	vst.add.f32.msk $0xffff, v3  }
0xf8: {  	v2 =	vld [tilespmem:s26+$0xF0]  }
0xf9: {  	v3 =	vld [tilespmem:s26+$0x170];
	_ =	sdelay $0x1  }
0xfa: {  	[tilespmem:s9+$0xC970] =	vst.add.f32.msk $0xffff, v0  }
0xfb: {  	[tilespmem:s1+$0xC870] =	vst.add.f32.msk $0xffff, v1  }
0xfc: {  	s0 =	sshll.u32 s25, $0xB;
	[tilespmem:s1+$0xC8F0] =	vst.add.f32.msk $0xffff, v2  }
0xfd: {  	s0 =	sadd.s32 s31, s0;
	s26 =	simm.s32 $0xC800;
	[tilespmem:s1+$0xC970] =	vst.add.f32.msk $0xffff, v3  }
0xfe: {  	[hbm4b:s0+s6] =	stream.linear.scatter [tilespmem:s26], [sflag:$0x5], $0x4000, $0x38;
	[tilespmem:$0x1C800] =	vst v63  }
0xff: {  	s0 =	simm.s32 @!p0 $0x8  }
0x100: {  	s9 =	sor.u32 $0x3, s11;
	_ =	swait.ge @!p0 [sflag:s0], $0x4000  }
0x101: {  	s4 =	sshll.u32 s9, $0x7;
	[sflag:s0] =	ssyncset.done @!p0 $0x0  }
0x102: {  	s1 =	sand.u32 $0x3FFFFF80, s4;
	[sflag:s0] =	ssyncadd.s32 @!p0 $0xFFFFC000  }
0x103: {  	s25 =	sadd.s32 $0x6400, s1;
	s26 =	smulhi.u32 $0x51EB851F, s14;
	s4 =	rddreg [dreg:$0x1]  }
0x104: {  	[tilespmem:s28], [sflag:$0x4] =	stream.indirect.gather [hbm4b:s4+s5], $0x80, s25, s5, $0xb8;
	[tilespmem:$0x1C800] =	vst v63  }
0x105: {  	s1 =	sshrl.u32 s26, $0x6;
	s25 =	smulhi.u32 $0x51EB851F, s12  }
0x106: {  	s1 =	smul.u32 $0xFFFE7000, s1  }
0x107: {  	s26 =	simm.s32 $0x2;
	s0 =	sshrl.u32 s25, $0x6  }
0x108: {  	s1 =	sshra.s32 s1, $0x2;
	_ =	swait.ge [sflag:s26], $0x4000;
	s0 =	smul.u32 $0xFFFE7000, s0  }
0x109: {  	s1 =	sadd.s32 s1, s13;
	[sflag:s26] =	ssyncset.done $0x0  }
0x10a: {  	[sflag:s26] =	ssyncadd.s32 $0xFFFFC000;
	s28 =	sshra.s32 s0, $0x2;
	s0 =	sadd.s32 $0x0, s1  }
0x10b: {  	v0 =	vld [tilespmem:s0+$0x40]  }
0x10c: {  	v2 =	vld [tilespmem:s0+$0xFFFFFF40]  }
0x10d: {  	s4 =	sadd.s32 s28, s10;
	v3 =	vld [tilespmem:s0+$0xFFFFFFC0]  }
0x10e: {  	s1 =	sadd.s32 $0x0, s4  }
0x10f: {  	s26 =	simm.s32 $0x0;
	v1 =	vld [tilespmem:s1+$0x0]  }
0x110: {  	[tilespmem:s26+$0x10980] =	vst.add.f32.msk $0xffff, v0  }
0x111: {  	[tilespmem:s26+$0x10880] =	vst.add.f32.msk $0xffff, v2  }
0x112: {  	[tilespmem:s26+$0x10900] =	vst.add.f32.msk $0xffff, v3  }
0x113: {  	v0 =	vld [tilespmem:s0+$0x50]  }
0x114: {  	v2 =	vld [tilespmem:s0+$0xFFFFFF50]  }
0x115: {  	v3 =	vld [tilespmem:s0+$0xFFFFFFD0]  }
0x116: {  	[tilespmem:s26+$0x10800] =	vst.add.f32.msk $0xffff, v1  }
0x117: {  	v1 =	vld [tilespmem:s1+$0x10]  }
0x118: {  	[tilespmem:s26+$0x10990] =	vst.add.f32.msk $0xffff, v0  }
0x119: {  	[tilespmem:s26+$0x10890] =	vst.add.f32.msk $0xffff, v2  }
0x11a: {  	[tilespmem:s26+$0x10910] =	vst.add.f32.msk $0xffff, v3  }
0x11b: {  	v0 =	vld [tilespmem:s0+$0x60]  }
0x11c: {  	v2 =	vld [tilespmem:s0+$0xFFFFFF60]  }
0x11d: {  	v3 =	vld [tilespmem:s0+$0xFFFFFFE0]  }
0x11e: {  	[tilespmem:s26+$0x10810] =	vst.add.f32.msk $0xffff, v1  }
0x11f: {  	v1 =	vld [tilespmem:s1+$0x20]  }
0x120: {  	[tilespmem:s26+$0x109A0] =	vst.add.f32.msk $0xffff, v0  }
0x121: {  	[tilespmem:s26+$0x108A0] =	vst.add.f32.msk $0xffff, v2  }
0x122: {  	[tilespmem:s26+$0x10920] =	vst.add.f32.msk $0xffff, v3  }
0x123: {  	v0 =	vld [tilespmem:s0+$0x70]  }
0x124: {  	v2 =	vld [tilespmem:s0+$0xFFFFFF70]  }
0x125: {  	v3 =	vld [tilespmem:s0+$0xFFFFFFF0]  }
0x126: {  	[tilespmem:s26+$0x10820] =	vst.add.f32.msk $0xffff, v1  }
0x127: {  	v1 =	vld [tilespmem:s1+$0x30]  }
0x128: {  	[tilespmem:s26+$0x109B0] =	vst.add.f32.msk $0xffff, v0  }
0x129: {  	v0 =	vld [tilespmem:s0+$0x80]  }
0x12a: {  	[tilespmem:s26+$0x108B0] =	vst.add.f32.msk $0xffff, v2  }
0x12b: {  	[tilespmem:s26+$0x10930] =	vst.add.f32.msk $0xffff, v3  }
0x12c: {  	v2 =	vld [tilespmem:s0+$0xFFFFFF80]  }
0x12d: {  	v3 =	vld [tilespmem:s0+$0x0]  }
0x12e: {  	[tilespmem:s26+$0x109C0] =	vst.add.f32.msk $0xffff, v0  }
0x12f: {  	v0 =	vld [tilespmem:s0+$0x90]  }
0x130: {  	s4 =	sadd.s32 $0x4, s12;
	[tilespmem:s26+$0x10830] =	vst.add.f32.msk $0xffff, v1  }
0x131: {  	s29 =	sadd.s32 $0x4, s14;
	s30 =	smulhi.u32 $0x51EB851F, s4;
	v1 =	vld [tilespmem:s1+$0x40]  }
0x132: {  	s5 =	smulhi.u32 $0x51EB851F, s29;
	[tilespmem:s26+$0x108C0] =	vst.add.f32.msk $0xffff, v2  }
0x133: {  	s30 =	sshrl.u32 s30, $0x6;
	[tilespmem:s26+$0x10940] =	vst.add.f32.msk $0xffff, v3  }
0x134: {  	s25 =	sshrl.u32 s5, $0x6;
	s5 =	smul.u32 $0xFFFE7000, s30;
	[tilespmem:s26+$0x109D0] =	vst.add.f32.msk $0xffff, v0  }
0x135: {  	v0 =	vld [tilespmem:s0+$0xA0]  }
0x136: {  	s28 =	smul.u32 $0xFFFE7000, s25;
	s25 =	sshra.s32 s5, $0x2;
	v2 =	vld [tilespmem:s0+$0x10]  }
0x137: {  	s25 =	sadd.s32 s25, s10;
	[tilespmem:s26+$0x10840] =	vst.add.f32.msk $0xffff, v1  }
0x138: {  	s25 =	sadd.s32 $0x200, s25;
	v1 =	vld [tilespmem:s0+$0xFFFFFF90]  }
0x139: {  	v4 =	vld [tilespmem:s25+$0x0]  }
0x13a: {  	[tilespmem:s26+$0x109E0] =	vst.add.f32.msk $0xffff, v0  }
0x13b: {  	v0 =	vld [tilespmem:s1+$0x50]  }
0x13c: {  	[tilespmem:s26+$0x10950] =	vst.add.f32.msk $0xffff, v2  }
0x13d: {  	[tilespmem:s26+$0x108D0] =	vst.add.f32.msk $0xffff, v1  }
0x13e: {  	v1 =	vld [tilespmem:s0+$0xFFFFFFA0]  }
0x13f: {  	v3 =	vld [tilespmem:s0+$0xB0]  }
0x140: {  	[tilespmem:s26+$0x10850] =	vst.add.f32.msk $0xffff, v0  }
0x141: {  	v0 =	vld [tilespmem:s1+$0x60]  }
0x142: {  	v2 =	vld [tilespmem:s0+$0x20]  }
0x143: {  	[tilespmem:s26+$0x108E0] =	vst.add.f32.msk $0xffff, v1  }
0x144: {  	v1 =	vld [tilespmem:s0+$0xFFFFFFB0]  }
0x145: {  	[tilespmem:s26+$0x109F0] =	vst.add.f32.msk $0xffff, v3  }
0x146: {  	[tilespmem:s26+$0x10860] =	vst.add.f32.msk $0xffff, v0  }
0x147: {  	v3 =	vld [tilespmem:s1+$0x70];
	s1 =	sshra.s32 s28, $0x2  }
0x148: {  	[tilespmem:s26+$0x10960] =	vst.add.f32.msk $0xffff, v2;
	s1 =	sadd.s32 s1, s13  }
0x149: {  	[tilespmem:s26+$0x108F0] =	vst.add.f32.msk $0xffff, v1;
	s30 =	sadd.s32 $0x200, s1  }
0x14a: {  	v2 =	vld [tilespmem:s30+$0x40]  }
0x14b: {  	v5 =	vld [tilespmem:s30+$0xFFFFFF40]  }
0x14c: {  	s1 =	simm.s32 $0x200;
	v6 =	vld [tilespmem:s30+$0xFFFFFFC0]  }
0x14d: {  	[tilespmem:s1+$0x10800] =	vst.add.f32.msk $0xffff, v4  }
0x14e: {  	[tilespmem:s26+$0x10870] =	vst.add.f32.msk $0xffff, v3  }
0x14f: {  	[tilespmem:s1+$0x10980] =	vst.add.f32.msk $0xffff, v2  }
0x150: {  	v2 =	vld [tilespmem:s30+$0x50]  }
0x151: {  	v3 =	vld [tilespmem:s25+$0x10]  }
0x152: {  	[tilespmem:s1+$0x10880] =	vst.add.f32.msk $0xffff, v5  }
0x153: {  	[tilespmem:s1+$0x10900] =	vst.add.f32.msk $0xffff, v6  }
0x154: {  	v61 =	vld [tilespmem:s30+$0xFFFFFF50]  }
0x155: {  	[tilespmem:s1+$0x10990] =	vst.add.f32.msk $0xffff, v2  }
0x156: {  	v2 =	vld [tilespmem:s30+$0x60]  }
0x157: {  	v62 =	vld [tilespmem:s30+$0xFFFFFFD0]  }
0x158: {  	[tilespmem:s1+$0x10810] =	vst.add.f32.msk $0xffff, v3  }
0x159: {  	v3 =	vld [tilespmem:s25+$0x20]  }
0x15a: {  	[tilespmem:s1+$0x10890] =	vst.add.f32.msk $0xffff, v61  }
0x15b: {  	[tilespmem:s1+$0x109A0] =	vst.add.f32.msk $0xffff, v2  }
0x15c: {  	v2 =	vld [tilespmem:s30+$0x70]  }
0x15d: {  	[tilespmem:s1+$0x10910] =	vst.add.f32.msk $0xffff, v62  }
0x15e: {  	v4 =	vld [tilespmem:s30+$0xFFFFFF60]  }
0x15f: {  	v5 =	vld [tilespmem:s30+$0xFFFFFFE0]  }
0x160: {  	[tilespmem:s1+$0x10820] =	vst.add.f32.msk $0xffff, v3  }
0x161: {  	[tilespmem:s1+$0x109B0] =	vst.add.f32.msk $0xffff, v2  }
0x162: {  	v2 =	vld [tilespmem:s30+$0x80]  }
0x163: {  	v3 =	vld [tilespmem:s25+$0x30]  }
0x164: {  	[tilespmem:s1+$0x108A0] =	vst.add.f32.msk $0xffff, v4  }
0x165: {  	[tilespmem:s1+$0x10920] =	vst.add.f32.msk $0xffff, v5  }
0x166: {  	v4 =	vld [tilespmem:s30+$0xFFFFFF70]  }
0x167: {  	[tilespmem:s1+$0x109C0] =	vst.add.f32.msk $0xffff, v2  }
0x168: {  	v2 =	vld [tilespmem:s30+$0x90]  }
0x169: {  	v5 =	vld [tilespmem:s30+$0xFFFFFFF0]  }
0x16a: {  	[tilespmem:s1+$0x10830] =	vst.add.f32.msk $0xffff, v3  }
0x16b: {  	v3 =	vld [tilespmem:s25+$0x40]  }
0x16c: {  	[tilespmem:s1+$0x108B0] =	vst.add.f32.msk $0xffff, v4  }
0x16d: {  	[tilespmem:s1+$0x109D0] =	vst.add.f32.msk $0xffff, v2  }
0x16e: {  	v2 =	vld [tilespmem:s30+$0xA0]  }
0x16f: {  	[tilespmem:s1+$0x10930] =	vst.add.f32.msk $0xffff, v5  }
0x170: {  	v4 =	vld [tilespmem:s30+$0xFFFFFF80]  }
0x171: {  	v5 =	vld [tilespmem:s30+$0x0]  }
0x172: {  	[tilespmem:s1+$0x10840] =	vst.add.f32.msk $0xffff, v3  }
0x173: {  	[tilespmem:s1+$0x109E0] =	vst.add.f32.msk $0xffff, v2  }
0x174: {  	v2 =	vld [tilespmem:s30+$0xB0]  }
0x175: {  	v3 =	vld [tilespmem:s25+$0x50]  }
0x176: {  	[tilespmem:s1+$0x108C0] =	vst.add.f32.msk $0xffff, v4  }
0x177: {  	[tilespmem:s1+$0x10940] =	vst.add.f32.msk $0xffff, v5  }
0x178: {  	v63 =	vld [tilespmem:s30+$0x10]  }
0x179: {  	[tilespmem:s1+$0x109F0] =	vst.add.f32.msk $0xffff, v2  }
0x17a: {  	v2 =	vld [tilespmem:s30+$0xFFFFFF90]  }
0x17b: {  	v0 =	vld [tilespmem:s0+$0x30]  }
0x17c: {  	[tilespmem:s1+$0x10850] =	vst.add.f32.msk $0xffff, v3  }
0x17d: {  	v1 =	vld [tilespmem:s25+$0x60]  }
0x17e: {  	s2 =	smov.u32 s31;
	s31 =	simm.s32 $0x4;
	s28 =	sor.u32 $0x1, s11;
	[tilespmem:s1+$0x10950] =	vst.add.f32.msk $0xffff, v63  }
0x17f: {  	s4 =	sadd.s32 $0x4, s4;
	s0 =	simm.s32 $0x800;
	s11 =	sadd.s32 s3, s28;
	[tilespmem:s1+$0x108D0] =	vst.add.f32.msk $0xffff, v2  }
.LBB2_5:
0x180: {  	s28 =	smulhi.u32 $0x51EB851F, s4;
	v2 =	vld [tilespmem:s30+$0xFFFFFFA0];
	s29 =	sadd.s32 $0x4, s29  }
0x181: {  	s31 =	sadd.s32 $0x4, s31;
	s5 =	smulhi.u32 $0x51EB851F, s29;
	v3 =	vld [tilespmem:s30+$0x20]  }
0x182: {  	p0 =	slt.u32 s31, $0x7C;
	s28 =	sshrl.u32 s28, $0x6;
	[tilespmem:s1+$0x10860] =	vst.add.f32.msk $0xffff, v1  }
0x183: {  	s28 =	smul.u32 $0xFFFE7000, s28;
	s5 =	sshrl.u32 s5, $0x6;
	v1 =	vld [tilespmem:s25+$0x70]  }
0x184: {  	s5 =	smul.u32 $0xFFFE7000, s5;
	[tilespmem:s26+$0x10970] =	vst.add.f32.msk $0xffff, v0;
	s26 =	smov.u32 s1  }
0x185: {  	[tilespmem:s26+$0x108E0] =	vst.add.f32.msk $0xffff, v2  }
0x186: {  	s0 =	sadd.s32 $0x800, s0;
	s1 =	sshra.s32 s28, $0x2;
	s5 =	sshra.s32 s5, $0x2;
	[tilespmem:s26+$0x10960] =	vst.add.f32.msk $0xffff, v3  }
0x187: {  	s25 =	sadd.s32 s1, s10;
	s1 =	sshra.s32 s0, $0x2;
	s5 =	sadd.s32 s5, s13;
	v2 =	vld [tilespmem:s30+$0xFFFFFFB0]  }
0x188: {  	s25 =	sadd.s32 s1, s25;
	v0 =	vld [tilespmem:s30+$0x30];
	s30 =	sadd.s32 s1, s5  }
0x189: {  	v3 =	vld [tilespmem:s30+$0x40]  }
0x18a: {  	v4 =	vld [tilespmem:s25+$0x0]  }
0x18b: {  	v5 =	vld [tilespmem:s30+$0xFFFFFF40]  }
0x18c: {  	v6 =	vld [tilespmem:s30+$0xFFFFFFC0]  }
0x18d: {  	[tilespmem:s26+$0x10870] =	vst.add.f32.msk $0xffff, v1  }
0x18e: {  	[tilespmem:s1+$0x10980] =	vst.add.f32.msk $0xffff, v3  }
0x18f: {  	v1 =	vld [tilespmem:s30+$0x50]  }
0x190: {  	[tilespmem:s1+$0x10800] =	vst.add.f32.msk $0xffff, v4  }
0x191: {  	[tilespmem:s1+$0x10880] =	vst.add.f32.msk $0xffff, v5  }
0x192: {  	[tilespmem:s1+$0x10900] =	vst.add.f32.msk $0xffff, v6  }
0x193: {  	v3 =	vld [tilespmem:s25+$0x10]  }
0x194: {  	[tilespmem:s1+$0x10990] =	vst.add.f32.msk $0xffff, v1  }
0x195: {  	v1 =	vld [tilespmem:s30+$0x60]  }
0x196: {  	v4 =	vld [tilespmem:s30+$0xFFFFFF50]  }
0x197: {  	v5 =	vld [tilespmem:s30+$0xFFFFFFD0]  }
0x198: {  	[tilespmem:s1+$0x10810] =	vst.add.f32.msk $0xffff, v3  }
0x199: {  	v3 =	vld [tilespmem:s25+$0x20]  }
0x19a: {  	[tilespmem:s1+$0x109A0] =	vst.add.f32.msk $0xffff, v1  }
0x19b: {  	v1 =	vld [tilespmem:s30+$0x70]  }
0x19c: {  	[tilespmem:s1+$0x10890] =	vst.add.f32.msk $0xffff, v4  }
0x19d: {  	[tilespmem:s1+$0x10910] =	vst.add.f32.msk $0xffff, v5  }
0x19e: {  	v4 =	vld [tilespmem:s30+$0xFFFFFF60]  }
0x19f: {  	v5 =	vld [tilespmem:s30+$0xFFFFFFE0]  }
0x1a0: {  	[tilespmem:s1+$0x109B0] =	vst.add.f32.msk $0xffff, v1  }
0x1a1: {  	v1 =	vld [tilespmem:s30+$0x80]  }
0x1a2: {  	[tilespmem:s1+$0x10820] =	vst.add.f32.msk $0xffff, v3  }
0x1a3: {  	[tilespmem:s1+$0x108A0] =	vst.add.f32.msk $0xffff, v4  }
0x1a4: {  	[tilespmem:s1+$0x10920] =	vst.add.f32.msk $0xffff, v5  }
0x1a5: {  	v3 =	vld [tilespmem:s25+$0x30]  }
0x1a6: {  	[tilespmem:s1+$0x109C0] =	vst.add.f32.msk $0xffff, v1  }
0x1a7: {  	v1 =	vld [tilespmem:s30+$0x90]  }
0x1a8: {  	v4 =	vld [tilespmem:s30+$0xFFFFFF70]  }
0x1a9: {  	v5 =	vld [tilespmem:s30+$0xFFFFFFF0]  }
0x1aa: {  	[tilespmem:s1+$0x10830] =	vst.add.f32.msk $0xffff, v3  }
0x1ab: {  	v3 =	vld [tilespmem:s25+$0x40]  }
0x1ac: {  	[tilespmem:s1+$0x109D0] =	vst.add.f32.msk $0xffff, v1  }
0x1ad: {  	v1 =	vld [tilespmem:s30+$0xA0]  }
0x1ae: {  	[tilespmem:s1+$0x108B0] =	vst.add.f32.msk $0xffff, v4  }
0x1af: {  	[tilespmem:s1+$0x10930] =	vst.add.f32.msk $0xffff, v5  }
0x1b0: {  	v4 =	vld [tilespmem:s30+$0xFFFFFF80]  }
0x1b1: {  	v5 =	vld [tilespmem:s30+$0x0]  }
0x1b2: {  	[tilespmem:s1+$0x109E0] =	vst.add.f32.msk $0xffff, v1  }
0x1b3: {  	v1 =	vld [tilespmem:s30+$0xB0]  }
0x1b4: {  	[tilespmem:s1+$0x10840] =	vst.add.f32.msk $0xffff, v3  }
0x1b5: {  	[tilespmem:s1+$0x108C0] =	vst.add.f32.msk $0xffff, v4  }
0x1b6: {  	[tilespmem:s1+$0x10940] =	vst.add.f32.msk $0xffff, v5  }
0x1b7: {  	v3 =	vld [tilespmem:s25+$0x50]  }
0x1b8: {  	[tilespmem:s1+$0x109F0] =	vst.add.f32.msk $0xffff, v1  }
0x1b9: {  	v4 =	vld [tilespmem:s30+$0xFFFFFF90]  }
0x1ba: {  	v5 =	vld [tilespmem:s30+$0x10]  }
.Ltmp1:
0x1bb: {  	[tilespmem:s26+$0x108F0] =	vst.add.f32.msk $0xffff, v2;
	(pc) =	sbr.rel @p0 .LBB2_5-.Ltmp1, $4  }
0x1bc: {  	[tilespmem:s1+$0x10850] =	vst.add.f32.msk $0xffff, v3  }
0x1bd: {  	v1 =	vld [tilespmem:s25+$0x60]  }
0x1be: {  	[tilespmem:s1+$0x108D0] =	vst.add.f32.msk $0xffff, v4  }
0x1bf: {  	s4 =	sadd.s32 $0x4, s4;
	[tilespmem:s1+$0x10950] =	vst.add.f32.msk $0xffff, v5  }
0x1c0: {  	v2 =	vld [tilespmem:s30+$0xFFFFFFA0]  }
0x1c1: {  	v3 =	vld [tilespmem:s30+$0x20];
	_ =	sdelay $0x1  }
0x1c2: {  	[tilespmem:s1+$0x10860] =	vst.add.f32.msk $0xffff, v1  }
0x1c3: {  	v1 =	vld [tilespmem:s25+$0x70]  }
0x1c4: {  	[tilespmem:s1+$0x108E0] =	vst.add.f32.msk $0xffff, v2  }
0x1c5: {  	[tilespmem:s1+$0x10960] =	vst.add.f32.msk $0xffff, v3  }
0x1c6: {  	v2 =	vld [tilespmem:s30+$0xFFFFFFB0]  }
0x1c7: {  	v3 =	vld [tilespmem:s30+$0x30];
	_ =	sdelay $0x1  }
0x1c8: {  	[tilespmem:s26+$0x10970] =	vst.add.f32.msk $0xffff, v0  }
0x1c9: {  	s0 =	sshll.u32 s11, $0xB;
	[tilespmem:s1+$0x10870] =	vst.add.f32.msk $0xffff, v1  }
0x1ca: {  	s0 =	sand.u32 $0x1FFFE800, s0;
	[tilespmem:s1+$0x108F0] =	vst.add.f32.msk $0xffff, v2  }
0x1cb: {  	s28 =	simm.s32 $0x10800;
	p0 =	seq.s32 s23, $0x31;
	s0 =	sadd.s32 s2, s0;
	[tilespmem:s1+$0x10970] =	vst.add.f32.msk $0xffff, v3  }
0x1cc: {  	[hbm4b:s0+s6] =	stream.linear.scatter [tilespmem:s28], [sflag:$0x6], $0x4000, $0x38;
	[tilespmem:$0x1C800] =	vst v63  }
0x1cd: {  	s0 =	simm.s32 @!p0 $0x5  }
0x1ce: {  	_ =	swait.ge @!p0 [sflag:s0], $0x4000  }
0x1cf: {  	s5 =	smulhi.u32 $0x51EB851F, s18;
	s1 =	sshll.u32 @!p0 s23, $0x9;
	[sflag:s0] =	ssyncset.done @!p0 $0x0  }
0x1d0: {  	s4 =	simm.s32 @!p0 $0xC800;
	s11 =	sand.u32 @!p0 $0x3FFFFE00, s1;
	[sflag:s0] =	ssyncadd.s32 @!p0 $0xFFFFC000  }
0x1d1: {  	s1 =	simm.s32 @!p0 $0x80;
	s0 =	sadd.s32 @!p0 $0x6600, s11;
	s25 =	rddreg [dreg:$0x1]  }
0x1d2: {  	[tilespmem:s4], [sflag:$0x1] =	stream.indirect.gather @!p0 [hbm4b:s25+s1], $0x80, s0, s1, $0xb8;
	[tilespmem:$0x1C800] =	vst v63  }
0x1d3: {  	s4 =	smulhi.u32 $0x51EB851F, s16;
	s25 =	sshrl.u32 s5, $0x6  }
0x1d4: {  	s1 =	smul.u32 $0xFFFE7000, s25  }
0x1d5: {  	s26 =	simm.s32 $0x3;
	s0 =	sshrl.u32 s4, $0x6  }
0x1d6: {  	_ =	swait.ge [sflag:s26], $0x4000;
	s0 =	smul.u32 $0xFFFE7000, s0;
	s1 =	sshra.s32 s1, $0x2  }
0x1d7: {  	[sflag:s26] =	ssyncset.done $0x0;
	s1 =	sadd.s32 s1, s17  }
0x1d8: {  	[sflag:s26] =	ssyncadd.s32 $0xFFFFC000;
	s28 =	sshra.s32 s0, $0x2;
	s0 =	sadd.s32 $0x0, s1  }
0x1d9: {  	v0 =	vld [tilespmem:s0+$0x40]  }
0x1da: {  	v2 =	vld [tilespmem:s0+$0xFFFFFF40]  }
0x1db: {  	s5 =	sadd.s32 s28, s15;
	v3 =	vld [tilespmem:s0+$0xFFFFFFC0]  }
0x1dc: {  	s1 =	sadd.s32 $0x0, s5  }
0x1dd: {  	s26 =	simm.s32 $0x0;
	v1 =	vld [tilespmem:s1+$0x0]  }
0x1de: {  	[tilespmem:s26+$0x14980] =	vst.add.f32.msk $0xffff, v0  }
0x1df: {  	[tilespmem:s26+$0x14880] =	vst.add.f32.msk $0xffff, v2  }
0x1e0: {  	[tilespmem:s26+$0x14900] =	vst.add.f32.msk $0xffff, v3  }
0x1e1: {  	v0 =	vld [tilespmem:s0+$0x50]  }
0x1e2: {  	v2 =	vld [tilespmem:s0+$0xFFFFFF50]  }
0x1e3: {  	v3 =	vld [tilespmem:s0+$0xFFFFFFD0]  }
0x1e4: {  	[tilespmem:s26+$0x14800] =	vst.add.f32.msk $0xffff, v1  }
0x1e5: {  	v1 =	vld [tilespmem:s1+$0x10]  }
0x1e6: {  	[tilespmem:s26+$0x14990] =	vst.add.f32.msk $0xffff, v0  }
0x1e7: {  	[tilespmem:s26+$0x14890] =	vst.add.f32.msk $0xffff, v2  }
0x1e8: {  	[tilespmem:s26+$0x14910] =	vst.add.f32.msk $0xffff, v3  }
0x1e9: {  	v0 =	vld [tilespmem:s0+$0x60]  }
0x1ea: {  	v2 =	vld [tilespmem:s0+$0xFFFFFF60]  }
0x1eb: {  	v3 =	vld [tilespmem:s0+$0xFFFFFFE0]  }
0x1ec: {  	[tilespmem:s26+$0x14810] =	vst.add.f32.msk $0xffff, v1  }
0x1ed: {  	v1 =	vld [tilespmem:s1+$0x20]  }
0x1ee: {  	[tilespmem:s26+$0x149A0] =	vst.add.f32.msk $0xffff, v0  }
0x1ef: {  	[tilespmem:s26+$0x148A0] =	vst.add.f32.msk $0xffff, v2  }
0x1f0: {  	[tilespmem:s26+$0x14920] =	vst.add.f32.msk $0xffff, v3  }
0x1f1: {  	v0 =	vld [tilespmem:s0+$0x70]  }
0x1f2: {  	v2 =	vld [tilespmem:s0+$0xFFFFFF70]  }
0x1f3: {  	v3 =	vld [tilespmem:s0+$0xFFFFFFF0]  }
0x1f4: {  	[tilespmem:s26+$0x14820] =	vst.add.f32.msk $0xffff, v1  }
0x1f5: {  	v1 =	vld [tilespmem:s1+$0x30]  }
0x1f6: {  	[tilespmem:s26+$0x149B0] =	vst.add.f32.msk $0xffff, v0  }
0x1f7: {  	v0 =	vld [tilespmem:s0+$0x80]  }
0x1f8: {  	[tilespmem:s26+$0x148B0] =	vst.add.f32.msk $0xffff, v2  }
0x1f9: {  	[tilespmem:s26+$0x14930] =	vst.add.f32.msk $0xffff, v3  }
0x1fa: {  	v2 =	vld [tilespmem:s0+$0xFFFFFF80]  }
0x1fb: {  	v3 =	vld [tilespmem:s0+$0x0]  }
0x1fc: {  	[tilespmem:s26+$0x149C0] =	vst.add.f32.msk $0xffff, v0  }
0x1fd: {  	v0 =	vld [tilespmem:s0+$0x90]  }
0x1fe: {  	[tilespmem:s26+$0x14830] =	vst.add.f32.msk $0xffff, v1  }
0x1ff: {  	v1 =	vld [tilespmem:s1+$0x40]  }
0x200: {  	[tilespmem:s26+$0x148C0] =	vst.add.f32.msk $0xffff, v2  }
0x201: {  	[tilespmem:s26+$0x14940] =	vst.add.f32.msk $0xffff, v3  }
0x202: {  	[tilespmem:s26+$0x149D0] =	vst.add.f32.msk $0xffff, v0  }
0x203: {  	v0 =	vld [tilespmem:s0+$0xA0]  }
0x204: {  	v2 =	vld [tilespmem:s0+$0x10]  }
0x205: {  	[tilespmem:s26+$0x14840] =	vst.add.f32.msk $0xffff, v1  }
0x206: {  	v1 =	vld [tilespmem:s0+$0xFFFFFF90];
	_ =	sdelay $0x1  }
0x207: {  	[tilespmem:s26+$0x149E0] =	vst.add.f32.msk $0xffff, v0  }
0x208: {  	v0 =	vld [tilespmem:s1+$0x50]  }
0x209: {  	[tilespmem:s26+$0x14950] =	vst.add.f32.msk $0xffff, v2  }
0x20a: {  	[tilespmem:s26+$0x148D0] =	vst.add.f32.msk $0xffff, v1  }
0x20b: {  	v1 =	vld [tilespmem:s0+$0xFFFFFFA0]  }
0x20c: {  	v3 =	vld [tilespmem:s0+$0xB0]  }
0x20d: {  	[tilespmem:s26+$0x14850] =	vst.add.f32.msk $0xffff, v0  }
0x20e: {  	s29 =	sadd.s32 $0x4, s18;
	v0 =	vld [tilespmem:s1+$0x60]  }
0x20f: {  	s25 =	smulhi.u32 $0x51EB851F, s29;
	s4 =	sadd.s32 $0x4, s16;
	v2 =	vld [tilespmem:s0+$0x20]  }
0x210: {  	s28 =	smulhi.u32 $0x51EB851F, s4;
	[tilespmem:s26+$0x148E0] =	vst.add.f32.msk $0xffff, v1  }
0x211: {  	s5 =	sshrl.u32 s25, $0x6;
	v1 =	vld [tilespmem:s0+$0xFFFFFFB0]  }
0x212: {  	s25 =	sshrl.u32 s28, $0x6;
	s5 =	smul.u32 $0xFFFE7000, s5;
	[tilespmem:s26+$0x149F0] =	vst.add.f32.msk $0xffff, v3  }
0x213: {  	s28 =	smul.u32 $0xFFFE7000, s25;
	[tilespmem:s26+$0x14860] =	vst.add.f32.msk $0xffff, v0  }
0x214: {  	v3 =	vld [tilespmem:s1+$0x70];
	s1 =	sshra.s32 s5, $0x2  }
0x215: {  	[tilespmem:s26+$0x14960] =	vst.add.f32.msk $0xffff, v2;
	s5 =	sshra.s32 s28, $0x2;
	s1 =	sadd.s32 s1, s17  }
0x216: {  	[tilespmem:s26+$0x148F0] =	vst.add.f32.msk $0xffff, v1;
	s5 =	sadd.s32 s5, s15;
	s30 =	sadd.s32 $0x200, s1  }
0x217: {  	s25 =	sadd.s32 $0x200, s5;
	v2 =	vld [tilespmem:s30+$0x40]  }
0x218: {  	v4 =	vld [tilespmem:s25+$0x0]  }
0x219: {  	v5 =	vld [tilespmem:s30+$0xFFFFFF40]  }
0x21a: {  	v6 =	vld [tilespmem:s30+$0xFFFFFFC0]  }
0x21b: {  	s1 =	simm.s32 $0x200;
	[tilespmem:s26+$0x14870] =	vst.add.f32.msk $0xffff, v3  }
0x21c: {  	[tilespmem:s1+$0x14980] =	vst.add.f32.msk $0xffff, v2  }
0x21d: {  	[tilespmem:s1+$0x14800] =	vst.add.f32.msk $0xffff, v4  }
0x21e: {  	v2 =	vld [tilespmem:s30+$0x50]  }
0x21f: {  	[tilespmem:s1+$0x14880] =	vst.add.f32.msk $0xffff, v5  }
0x220: {  	[tilespmem:s1+$0x14900] =	vst.add.f32.msk $0xffff, v6  }
0x221: {  	v3 =	vld [tilespmem:s25+$0x10]  }
0x222: {  	v61 =	vld [tilespmem:s30+$0xFFFFFF50]  }
0x223: {  	[tilespmem:s1+$0x14990] =	vst.add.f32.msk $0xffff, v2  }
0x224: {  	v2 =	vld [tilespmem:s30+$0x60]  }
0x225: {  	v62 =	vld [tilespmem:s30+$0xFFFFFFD0]  }
0x226: {  	[tilespmem:s1+$0x14810] =	vst.add.f32.msk $0xffff, v3  }
0x227: {  	[tilespmem:s1+$0x14890] =	vst.add.f32.msk $0xffff, v61  }
0x228: {  	v3 =	vld [tilespmem:s25+$0x20]  }
0x229: {  	[tilespmem:s1+$0x149A0] =	vst.add.f32.msk $0xffff, v2  }
0x22a: {  	v2 =	vld [tilespmem:s30+$0x70]  }
0x22b: {  	[tilespmem:s1+$0x14910] =	vst.add.f32.msk $0xffff, v62  }
0x22c: {  	v4 =	vld [tilespmem:s30+$0xFFFFFF60]  }
0x22d: {  	v5 =	vld [tilespmem:s30+$0xFFFFFFE0]  }
0x22e: {  	[tilespmem:s1+$0x14820] =	vst.add.f32.msk $0xffff, v3  }
0x22f: {  	[tilespmem:s1+$0x149B0] =	vst.add.f32.msk $0xffff, v2  }
0x230: {  	v2 =	vld [tilespmem:s30+$0x80]  }
0x231: {  	[tilespmem:s1+$0x148A0] =	vst.add.f32.msk $0xffff, v4  }
0x232: {  	[tilespmem:s1+$0x14920] =	vst.add.f32.msk $0xffff, v5  }
0x233: {  	v3 =	vld [tilespmem:s25+$0x30]  }
0x234: {  	v4 =	vld [tilespmem:s30+$0xFFFFFF70]  }
0x235: {  	[tilespmem:s1+$0x149C0] =	vst.add.f32.msk $0xffff, v2  }
0x236: {  	v2 =	vld [tilespmem:s30+$0x90]  }
0x237: {  	v5 =	vld [tilespmem:s30+$0xFFFFFFF0]  }
0x238: {  	[tilespmem:s1+$0x14830] =	vst.add.f32.msk $0xffff, v3  }
0x239: {  	[tilespmem:s1+$0x148B0] =	vst.add.f32.msk $0xffff, v4  }
0x23a: {  	v3 =	vld [tilespmem:s25+$0x40]  }
0x23b: {  	[tilespmem:s1+$0x149D0] =	vst.add.f32.msk $0xffff, v2  }
0x23c: {  	v2 =	vld [tilespmem:s30+$0xA0]  }
0x23d: {  	[tilespmem:s1+$0x14930] =	vst.add.f32.msk $0xffff, v5  }
0x23e: {  	v4 =	vld [tilespmem:s30+$0xFFFFFF80]  }
0x23f: {  	v5 =	vld [tilespmem:s30+$0x0]  }
0x240: {  	[tilespmem:s1+$0x14840] =	vst.add.f32.msk $0xffff, v3  }
0x241: {  	[tilespmem:s1+$0x149E0] =	vst.add.f32.msk $0xffff, v2  }
0x242: {  	v2 =	vld [tilespmem:s30+$0xB0]  }
0x243: {  	[tilespmem:s1+$0x148C0] =	vst.add.f32.msk $0xffff, v4  }
0x244: {  	[tilespmem:s1+$0x14940] =	vst.add.f32.msk $0xffff, v5  }
0x245: {  	v3 =	vld [tilespmem:s25+$0x50]  }
0x246: {  	v63 =	vld [tilespmem:s30+$0x10]  }
0x247: {  	[tilespmem:s1+$0x149F0] =	vst.add.f32.msk $0xffff, v2  }
0x248: {  	v2 =	vld [tilespmem:s30+$0xFFFFFF90]  }
0x249: {  	v0 =	vld [tilespmem:s0+$0x30]  }
0x24a: {  	[tilespmem:s1+$0x14850] =	vst.add.f32.msk $0xffff, v3  }
0x24b: {  	v1 =	vld [tilespmem:s25+$0x60]  }
0x24c: {  	s24 =	sadd.s32 s3, s24;
	[tilespmem:s1+$0x14950] =	vst.add.f32.msk $0xffff, v63  }
0x24d: {  	s31 =	simm.s32 $0x4;
	s4 =	sadd.s32 $0x4, s4;
	s0 =	simm.s32 $0x800;
	[tilespmem:s1+$0x148D0] =	vst.add.f32.msk $0xffff, v2  }
.LBB2_7:
0x24e: {  	s5 =	smulhi.u32 $0x51EB851F, s4;
	v2 =	vld [tilespmem:s30+$0xFFFFFFA0];
	s29 =	sadd.s32 $0x4, s29  }
0x24f: {  	s31 =	sadd.s32 $0x4, s31;
	s28 =	smulhi.u32 $0x51EB851F, s29;
	v3 =	vld [tilespmem:s30+$0x20]  }
0x250: {  	p1 =	slt.u32 s31, $0x7C;
	s5 =	sshrl.u32 s5, $0x6;
	[tilespmem:s1+$0x14860] =	vst.add.f32.msk $0xffff, v1  }
0x251: {  	s5 =	smul.u32 $0xFFFE7000, s5;
	s28 =	sshrl.u32 s28, $0x6;
	v1 =	vld [tilespmem:s25+$0x70]  }
0x252: {  	s25 =	smul.u32 $0xFFFE7000, s28;
	[tilespmem:s26+$0x14970] =	vst.add.f32.msk $0xffff, v0;
	s26 =	smov.u32 s1  }
0x253: {  	[tilespmem:s26+$0x148E0] =	vst.add.f32.msk $0xffff, v2  }
0x254: {  	s0 =	sadd.s32 $0x800, s0;
	s1 =	sshra.s32 s5, $0x2;
	s5 =	sshra.s32 s25, $0x2;
	[tilespmem:s26+$0x14960] =	vst.add.f32.msk $0xffff, v3  }
0x255: {  	s25 =	sadd.s32 s1, s15;
	s1 =	sshra.s32 s0, $0x2;
	s5 =	sadd.s32 s5, s17;
	v2 =	vld [tilespmem:s30+$0xFFFFFFB0]  }
0x256: {  	s25 =	sadd.s32 s1, s25;
	v0 =	vld [tilespmem:s30+$0x30];
	s30 =	sadd.s32 s1, s5  }
0x257: {  	v3 =	vld [tilespmem:s30+$0x40]  }
0x258: {  	v4 =	vld [tilespmem:s25+$0x0]  }
0x259: {  	v5 =	vld [tilespmem:s30+$0xFFFFFF40]  }
0x25a: {  	v6 =	vld [tilespmem:s30+$0xFFFFFFC0]  }
0x25b: {  	[tilespmem:s26+$0x14870] =	vst.add.f32.msk $0xffff, v1  }
0x25c: {  	[tilespmem:s1+$0x14980] =	vst.add.f32.msk $0xffff, v3  }
0x25d: {  	v1 =	vld [tilespmem:s30+$0x50]  }
0x25e: {  	[tilespmem:s1+$0x14800] =	vst.add.f32.msk $0xffff, v4  }
0x25f: {  	[tilespmem:s1+$0x14880] =	vst.add.f32.msk $0xffff, v5  }
0x260: {  	[tilespmem:s1+$0x14900] =	vst.add.f32.msk $0xffff, v6  }
0x261: {  	v3 =	vld [tilespmem:s25+$0x10]  }
0x262: {  	[tilespmem:s1+$0x14990] =	vst.add.f32.msk $0xffff, v1  }
0x263: {  	v1 =	vld [tilespmem:s30+$0x60]  }
0x264: {  	v4 =	vld [tilespmem:s30+$0xFFFFFF50]  }
0x265: {  	v5 =	vld [tilespmem:s30+$0xFFFFFFD0]  }
0x266: {  	[tilespmem:s1+$0x14810] =	vst.add.f32.msk $0xffff, v3  }
0x267: {  	v3 =	vld [tilespmem:s25+$0x20]  }
0x268: {  	[tilespmem:s1+$0x149A0] =	vst.add.f32.msk $0xffff, v1  }
0x269: {  	v1 =	vld [tilespmem:s30+$0x70]  }
0x26a: {  	[tilespmem:s1+$0x14890] =	vst.add.f32.msk $0xffff, v4  }
0x26b: {  	[tilespmem:s1+$0x14910] =	vst.add.f32.msk $0xffff, v5  }
0x26c: {  	v4 =	vld [tilespmem:s30+$0xFFFFFF60]  }
0x26d: {  	v5 =	vld [tilespmem:s30+$0xFFFFFFE0]  }
0x26e: {  	[tilespmem:s1+$0x149B0] =	vst.add.f32.msk $0xffff, v1  }
0x26f: {  	v1 =	vld [tilespmem:s30+$0x80]  }
0x270: {  	[tilespmem:s1+$0x14820] =	vst.add.f32.msk $0xffff, v3  }
0x271: {  	[tilespmem:s1+$0x148A0] =	vst.add.f32.msk $0xffff, v4  }
0x272: {  	[tilespmem:s1+$0x14920] =	vst.add.f32.msk $0xffff, v5  }
0x273: {  	v3 =	vld [tilespmem:s25+$0x30]  }
0x274: {  	[tilespmem:s1+$0x149C0] =	vst.add.f32.msk $0xffff, v1  }
0x275: {  	v1 =	vld [tilespmem:s30+$0x90]  }
0x276: {  	v4 =	vld [tilespmem:s30+$0xFFFFFF70]  }
0x277: {  	v5 =	vld [tilespmem:s30+$0xFFFFFFF0]  }
0x278: {  	[tilespmem:s1+$0x14830] =	vst.add.f32.msk $0xffff, v3  }
0x279: {  	v3 =	vld [tilespmem:s25+$0x40]  }
0x27a: {  	[tilespmem:s1+$0x149D0] =	vst.add.f32.msk $0xffff, v1  }
0x27b: {  	v1 =	vld [tilespmem:s30+$0xA0]  }
0x27c: {  	[tilespmem:s1+$0x148B0] =	vst.add.f32.msk $0xffff, v4  }
0x27d: {  	[tilespmem:s1+$0x14930] =	vst.add.f32.msk $0xffff, v5  }
0x27e: {  	v4 =	vld [tilespmem:s30+$0xFFFFFF80]  }
0x27f: {  	v5 =	vld [tilespmem:s30+$0x0]  }
0x280: {  	[tilespmem:s1+$0x149E0] =	vst.add.f32.msk $0xffff, v1  }
0x281: {  	v1 =	vld [tilespmem:s30+$0xB0]  }
0x282: {  	[tilespmem:s1+$0x14840] =	vst.add.f32.msk $0xffff, v3  }
0x283: {  	[tilespmem:s1+$0x148C0] =	vst.add.f32.msk $0xffff, v4  }
0x284: {  	[tilespmem:s1+$0x14940] =	vst.add.f32.msk $0xffff, v5  }
0x285: {  	v3 =	vld [tilespmem:s25+$0x50]  }
0x286: {  	[tilespmem:s1+$0x149F0] =	vst.add.f32.msk $0xffff, v1  }
0x287: {  	v4 =	vld [tilespmem:s30+$0xFFFFFF90]  }
0x288: {  	v5 =	vld [tilespmem:s30+$0x10]  }
.Ltmp2:
0x289: {  	[tilespmem:s26+$0x148F0] =	vst.add.f32.msk $0xffff, v2;
	(pc) =	sbr.rel @p1 .LBB2_7-.Ltmp2, $4  }
0x28a: {  	[tilespmem:s1+$0x14850] =	vst.add.f32.msk $0xffff, v3  }
0x28b: {  	v1 =	vld [tilespmem:s25+$0x60]  }
0x28c: {  	[tilespmem:s1+$0x148D0] =	vst.add.f32.msk $0xffff, v4  }
0x28d: {  	s4 =	sadd.s32 $0x4, s4;
	[tilespmem:s1+$0x14950] =	vst.add.f32.msk $0xffff, v5  }
0x28e: {  	v2 =	vld [tilespmem:s30+$0xFFFFFFA0]  }
0x28f: {  	v3 =	vld [tilespmem:s30+$0x20];
	_ =	sdelay $0x1  }
0x290: {  	[tilespmem:s1+$0x14860] =	vst.add.f32.msk $0xffff, v1  }
0x291: {  	v1 =	vld [tilespmem:s25+$0x70]  }
0x292: {  	[tilespmem:s1+$0x148E0] =	vst.add.f32.msk $0xffff, v2  }
0x293: {  	[tilespmem:s1+$0x14960] =	vst.add.f32.msk $0xffff, v3  }
0x294: {  	v2 =	vld [tilespmem:s30+$0xFFFFFFB0]  }
0x295: {  	v3 =	vld [tilespmem:s30+$0x30];
	_ =	sdelay $0x1  }
0x296: {  	[tilespmem:s26+$0x14970] =	vst.add.f32.msk $0xffff, v0  }
0x297: {  	s0 =	sshll.u32 s24, $0xB;
	[tilespmem:s1+$0x14870] =	vst.add.f32.msk $0xffff, v1  }
0x298: {  	s0 =	sand.u32 $0x1FFFF000, s0;
	[tilespmem:s1+$0x148F0] =	vst.add.f32.msk $0xffff, v2  }
0x299: {  	s0 =	sadd.s32 s2, s0;
	s30 =	simm.s32 $0x14800;
	[tilespmem:s1+$0x14970] =	vst.add.f32.msk $0xffff, v3  }
0x29a: {  	[hbm4b:s0+s6] =	stream.linear.scatter [tilespmem:s30], [sflag:$0x7], $0x4000, $0x38;
	[tilespmem:$0x1C800] =	vst v63  }
0x29b: {  	s0 =	simm.s32 @!p0 $0x6  }
0x29c: {  	_ =	swait.ge @!p0 [sflag:s0], $0x4000  }
0x29d: {  	s31 =	smov.u32 s2;
	[sflag:s0] =	ssyncset.done @!p0 $0x0  }
0x29e: {  	s4 =	simm.s32 @!p0 $0x10800;
	s5 =	smulhi.u32 $0x51EB851F, s22;
	[sflag:s0] =	ssyncadd.s32 @!p0 $0xFFFFC000  }
0x29f: {  	s1 =	simm.s32 @!p0 $0x80;
	s0 =	sadd.s32 @!p0 $0x6680, s11;
	s2 =	rddreg [dreg:$0x1]  }
0x2a0: {  	[tilespmem:s4], [sflag:$0x2] =	stream.indirect.gather @!p0 [hbm4b:s2+s1], $0x80, s0, s1, $0xb8;
	[tilespmem:$0x1C800] =	vst v63  }
0x2a1: {  	s11 =	sshrl.u32 s5, $0x6;
	s4 =	smulhi.u32 $0x51EB851F, s20  }
0x2a2: {  	s1 =	smul.u32 $0xFFFE7000, s11  }
0x2a3: {  	s24 =	simm.s32 $0x4;
	s0 =	sshrl.u32 s4, $0x6  }
0x2a4: {  	_ =	swait.ge [sflag:s24], $0x4000;
	s1 =	sshra.s32 s1, $0x2;
	s0 =	smul.u32 $0xFFFE7000, s0  }
0x2a5: {  	[sflag:s24] =	ssyncset.done $0x0;
	s1 =	sadd.s32 s1, s21  }
0x2a6: {  	[sflag:s24] =	ssyncadd.s32 $0xFFFFC000;
	s25 =	sshra.s32 s0, $0x2;
	s0 =	sadd.s32 $0x0, s1  }
0x2a7: {  	v0 =	vld [tilespmem:s0+$0x40]  }
0x2a8: {  	v2 =	vld [tilespmem:s0+$0xFFFFFF40]  }
0x2a9: {  	s26 =	sadd.s32 s25, s19;
	v3 =	vld [tilespmem:s0+$0xFFFFFFC0]  }
0x2aa: {  	s1 =	sadd.s32 $0x0, s26  }
0x2ab: {  	s11 =	simm.s32 $0x0;
	v1 =	vld [tilespmem:s1+$0x0]  }
0x2ac: {  	[tilespmem:s11+$0x18980] =	vst.add.f32.msk $0xffff, v0  }
0x2ad: {  	[tilespmem:s11+$0x18880] =	vst.add.f32.msk $0xffff, v2  }
0x2ae: {  	[tilespmem:s11+$0x18900] =	vst.add.f32.msk $0xffff, v3  }
0x2af: {  	v0 =	vld [tilespmem:s0+$0x50]  }
0x2b0: {  	v2 =	vld [tilespmem:s0+$0xFFFFFF50]  }
0x2b1: {  	v3 =	vld [tilespmem:s0+$0xFFFFFFD0]  }
0x2b2: {  	[tilespmem:s11+$0x18800] =	vst.add.f32.msk $0xffff, v1  }
0x2b3: {  	v1 =	vld [tilespmem:s1+$0x10]  }
0x2b4: {  	[tilespmem:s11+$0x18990] =	vst.add.f32.msk $0xffff, v0  }
0x2b5: {  	[tilespmem:s11+$0x18890] =	vst.add.f32.msk $0xffff, v2  }
0x2b6: {  	[tilespmem:s11+$0x18910] =	vst.add.f32.msk $0xffff, v3  }
0x2b7: {  	v0 =	vld [tilespmem:s0+$0x60]  }
0x2b8: {  	v2 =	vld [tilespmem:s0+$0xFFFFFF60]  }
0x2b9: {  	v3 =	vld [tilespmem:s0+$0xFFFFFFE0]  }
0x2ba: {  	[tilespmem:s11+$0x18810] =	vst.add.f32.msk $0xffff, v1  }
0x2bb: {  	v1 =	vld [tilespmem:s1+$0x20]  }
0x2bc: {  	[tilespmem:s11+$0x189A0] =	vst.add.f32.msk $0xffff, v0  }
0x2bd: {  	[tilespmem:s11+$0x188A0] =	vst.add.f32.msk $0xffff, v2  }
0x2be: {  	[tilespmem:s11+$0x18920] =	vst.add.f32.msk $0xffff, v3  }
0x2bf: {  	v0 =	vld [tilespmem:s0+$0x70]  }
0x2c0: {  	v2 =	vld [tilespmem:s0+$0xFFFFFF70]  }
0x2c1: {  	v3 =	vld [tilespmem:s0+$0xFFFFFFF0]  }
0x2c2: {  	[tilespmem:s11+$0x18820] =	vst.add.f32.msk $0xffff, v1  }
0x2c3: {  	v1 =	vld [tilespmem:s1+$0x30]  }
0x2c4: {  	[tilespmem:s11+$0x189B0] =	vst.add.f32.msk $0xffff, v0  }
0x2c5: {  	v0 =	vld [tilespmem:s0+$0x80]  }
0x2c6: {  	[tilespmem:s11+$0x188B0] =	vst.add.f32.msk $0xffff, v2  }
0x2c7: {  	[tilespmem:s11+$0x18930] =	vst.add.f32.msk $0xffff, v3  }
0x2c8: {  	v2 =	vld [tilespmem:s0+$0xFFFFFF80]  }
0x2c9: {  	v3 =	vld [tilespmem:s0+$0x0]  }
0x2ca: {  	[tilespmem:s11+$0x189C0] =	vst.add.f32.msk $0xffff, v0  }
0x2cb: {  	v0 =	vld [tilespmem:s0+$0x90]  }
0x2cc: {  	s4 =	sadd.s32 $0x4, s20;
	[tilespmem:s11+$0x18830] =	vst.add.f32.msk $0xffff, v1  }
0x2cd: {  	s24 =	sadd.s32 $0x4, s22;
	s2 =	smulhi.u32 $0x51EB851F, s4;
	v1 =	vld [tilespmem:s1+$0x40]  }
0x2ce: {  	s28 =	smulhi.u32 $0x51EB851F, s24;
	[tilespmem:s11+$0x188C0] =	vst.add.f32.msk $0xffff, v2  }
0x2cf: {  	s25 =	sshrl.u32 s2, $0x6;
	[tilespmem:s11+$0x18940] =	vst.add.f32.msk $0xffff, v3  }
0x2d0: {  	s5 =	sshrl.u32 s28, $0x6;
	s28 =	smul.u32 $0xFFFE7000, s25;
	[tilespmem:s11+$0x189D0] =	vst.add.f32.msk $0xffff, v0  }
0x2d1: {  	v0 =	vld [tilespmem:s0+$0xA0]  }
0x2d2: {  	s26 =	smul.u32 $0xFFFE7000, s5;
	s5 =	sshra.s32 s28, $0x2;
	v2 =	vld [tilespmem:s0+$0x10]  }
0x2d3: {  	s5 =	sadd.s32 s5, s19;
	[tilespmem:s11+$0x18840] =	vst.add.f32.msk $0xffff, v1  }
0x2d4: {  	s25 =	sadd.s32 $0x200, s5;
	v1 =	vld [tilespmem:s0+$0xFFFFFF90]  }
0x2d5: {  	v4 =	vld [tilespmem:s25+$0x0]  }
0x2d6: {  	[tilespmem:s11+$0x189E0] =	vst.add.f32.msk $0xffff, v0  }
0x2d7: {  	v0 =	vld [tilespmem:s1+$0x50]  }
0x2d8: {  	[tilespmem:s11+$0x18950] =	vst.add.f32.msk $0xffff, v2  }
0x2d9: {  	[tilespmem:s11+$0x188D0] =	vst.add.f32.msk $0xffff, v1  }
0x2da: {  	v1 =	vld [tilespmem:s0+$0xFFFFFFA0]  }
0x2db: {  	v3 =	vld [tilespmem:s0+$0xB0]  }
0x2dc: {  	[tilespmem:s11+$0x18850] =	vst.add.f32.msk $0xffff, v0  }
0x2dd: {  	v0 =	vld [tilespmem:s1+$0x60]  }
0x2de: {  	v2 =	vld [tilespmem:s0+$0x20]  }
0x2df: {  	[tilespmem:s11+$0x188E0] =	vst.add.f32.msk $0xffff, v1  }
0x2e0: {  	v1 =	vld [tilespmem:s0+$0xFFFFFFB0]  }
0x2e1: {  	[tilespmem:s11+$0x189F0] =	vst.add.f32.msk $0xffff, v3  }
0x2e2: {  	[tilespmem:s11+$0x18860] =	vst.add.f32.msk $0xffff, v0  }
0x2e3: {  	v3 =	vld [tilespmem:s1+$0x70];
	s1 =	sshra.s32 s26, $0x2  }
0x2e4: {  	[tilespmem:s11+$0x18960] =	vst.add.f32.msk $0xffff, v2;
	s1 =	sadd.s32 s1, s21  }
0x2e5: {  	[tilespmem:s11+$0x188F0] =	vst.add.f32.msk $0xffff, v1;
	s26 =	sadd.s32 $0x200, s1  }
0x2e6: {  	v2 =	vld [tilespmem:s26+$0x40]  }
0x2e7: {  	v5 =	vld [tilespmem:s26+$0xFFFFFF40]  }
0x2e8: {  	s1 =	simm.s32 $0x200;
	v6 =	vld [tilespmem:s26+$0xFFFFFFC0]  }
0x2e9: {  	[tilespmem:s1+$0x18800] =	vst.add.f32.msk $0xffff, v4  }
0x2ea: {  	[tilespmem:s11+$0x18870] =	vst.add.f32.msk $0xffff, v3  }
0x2eb: {  	[tilespmem:s1+$0x18980] =	vst.add.f32.msk $0xffff, v2  }
0x2ec: {  	v2 =	vld [tilespmem:s26+$0x50]  }
0x2ed: {  	v3 =	vld [tilespmem:s25+$0x10]  }
0x2ee: {  	[tilespmem:s1+$0x18880] =	vst.add.f32.msk $0xffff, v5  }
0x2ef: {  	[tilespmem:s1+$0x18900] =	vst.add.f32.msk $0xffff, v6  }
0x2f0: {  	v61 =	vld [tilespmem:s26+$0xFFFFFF50]  }
0x2f1: {  	[tilespmem:s1+$0x18990] =	vst.add.f32.msk $0xffff, v2  }
0x2f2: {  	v2 =	vld [tilespmem:s26+$0x60]  }
0x2f3: {  	v62 =	vld [tilespmem:s26+$0xFFFFFFD0]  }
0x2f4: {  	[tilespmem:s1+$0x18810] =	vst.add.f32.msk $0xffff, v3  }
0x2f5: {  	v3 =	vld [tilespmem:s25+$0x20]  }
0x2f6: {  	[tilespmem:s1+$0x18890] =	vst.add.f32.msk $0xffff, v61  }
0x2f7: {  	[tilespmem:s1+$0x189A0] =	vst.add.f32.msk $0xffff, v2  }
0x2f8: {  	v2 =	vld [tilespmem:s26+$0x70]  }
0x2f9: {  	[tilespmem:s1+$0x18910] =	vst.add.f32.msk $0xffff, v62  }
0x2fa: {  	v4 =	vld [tilespmem:s26+$0xFFFFFF60]  }
0x2fb: {  	v5 =	vld [tilespmem:s26+$0xFFFFFFE0]  }
0x2fc: {  	[tilespmem:s1+$0x18820] =	vst.add.f32.msk $0xffff, v3  }
0x2fd: {  	[tilespmem:s1+$0x189B0] =	vst.add.f32.msk $0xffff, v2  }
0x2fe: {  	v2 =	vld [tilespmem:s26+$0x80]  }
0x2ff: {  	v3 =	vld [tilespmem:s25+$0x30]  }
0x300: {  	[tilespmem:s1+$0x188A0] =	vst.add.f32.msk $0xffff, v4  }
0x301: {  	[tilespmem:s1+$0x18920] =	vst.add.f32.msk $0xffff, v5  }
0x302: {  	v4 =	vld [tilespmem:s26+$0xFFFFFF70]  }
0x303: {  	[tilespmem:s1+$0x189C0] =	vst.add.f32.msk $0xffff, v2  }
0x304: {  	v2 =	vld [tilespmem:s26+$0x90]  }
0x305: {  	v5 =	vld [tilespmem:s26+$0xFFFFFFF0]  }
0x306: {  	[tilespmem:s1+$0x18830] =	vst.add.f32.msk $0xffff, v3  }
0x307: {  	v3 =	vld [tilespmem:s25+$0x40]  }
0x308: {  	[tilespmem:s1+$0x188B0] =	vst.add.f32.msk $0xffff, v4  }
0x309: {  	[tilespmem:s1+$0x189D0] =	vst.add.f32.msk $0xffff, v2  }
0x30a: {  	v2 =	vld [tilespmem:s26+$0xA0]  }
0x30b: {  	[tilespmem:s1+$0x18930] =	vst.add.f32.msk $0xffff, v5  }
0x30c: {  	v4 =	vld [tilespmem:s26+$0xFFFFFF80]  }
0x30d: {  	v5 =	vld [tilespmem:s26+$0x0]  }
0x30e: {  	[tilespmem:s1+$0x18840] =	vst.add.f32.msk $0xffff, v3  }
0x30f: {  	[tilespmem:s1+$0x189E0] =	vst.add.f32.msk $0xffff, v2  }
0x310: {  	v2 =	vld [tilespmem:s26+$0xB0]  }
0x311: {  	v3 =	vld [tilespmem:s25+$0x50]  }
0x312: {  	[tilespmem:s1+$0x188C0] =	vst.add.f32.msk $0xffff, v4  }
0x313: {  	[tilespmem:s1+$0x18940] =	vst.add.f32.msk $0xffff, v5  }
0x314: {  	v63 =	vld [tilespmem:s26+$0x10]  }
0x315: {  	[tilespmem:s1+$0x189F0] =	vst.add.f32.msk $0xffff, v2  }
0x316: {  	v2 =	vld [tilespmem:s26+$0xFFFFFF90]  }
0x317: {  	v0 =	vld [tilespmem:s0+$0x30]  }
0x318: {  	[tilespmem:s1+$0x18850] =	vst.add.f32.msk $0xffff, v3  }
0x319: {  	v1 =	vld [tilespmem:s25+$0x60]  }
0x31a: {  	s9 =	sadd.s32 s3, s9;
	[tilespmem:s1+$0x18950] =	vst.add.f32.msk $0xffff, v63  }
0x31b: {  	s29 =	simm.s32 $0x4;
	s4 =	sadd.s32 $0x4, s4;
	s0 =	simm.s32 $0x800;
	[tilespmem:s1+$0x188D0] =	vst.add.f32.msk $0xffff, v2  }
.LBB2_9:
0x31c: {  	s5 =	smulhi.u32 $0x51EB851F, s4;
	v2 =	vld [tilespmem:s26+$0xFFFFFFA0];
	s24 =	sadd.s32 $0x4, s24  }
0x31d: {  	s29 =	sadd.s32 $0x4, s29;
	s28 =	smulhi.u32 $0x51EB851F, s24;
	v3 =	vld [tilespmem:s26+$0x20]  }
0x31e: {  	p0 =	slt.u32 s29, $0x7C;
	s5 =	sshrl.u32 s5, $0x6;
	[tilespmem:s1+$0x18860] =	vst.add.f32.msk $0xffff, v1  }
0x31f: {  	s5 =	smul.u32 $0xFFFE7000, s5;
	s28 =	sshrl.u32 s28, $0x6;
	v1 =	vld [tilespmem:s25+$0x70]  }
0x320: {  	s25 =	smul.u32 $0xFFFE7000, s28;
	[tilespmem:s11+$0x18970] =	vst.add.f32.msk $0xffff, v0;
	s11 =	smov.u32 s1  }
0x321: {  	[tilespmem:s11+$0x188E0] =	vst.add.f32.msk $0xffff, v2  }
0x322: {  	s0 =	sadd.s32 $0x800, s0;
	s1 =	sshra.s32 s5, $0x2;
	s5 =	sshra.s32 s25, $0x2;
	[tilespmem:s11+$0x18960] =	vst.add.f32.msk $0xffff, v3  }
0x323: {  	s25 =	sadd.s32 s1, s19;
	s1 =	sshra.s32 s0, $0x2;
	s5 =	sadd.s32 s5, s21;
	v2 =	vld [tilespmem:s26+$0xFFFFFFB0]  }
0x324: {  	s25 =	sadd.s32 s1, s25;
	v0 =	vld [tilespmem:s26+$0x30];
	s26 =	sadd.s32 s1, s5  }
0x325: {  	v3 =	vld [tilespmem:s26+$0x40]  }
0x326: {  	v4 =	vld [tilespmem:s25+$0x0]  }
0x327: {  	v5 =	vld [tilespmem:s26+$0xFFFFFF40]  }
0x328: {  	v6 =	vld [tilespmem:s26+$0xFFFFFFC0]  }
0x329: {  	[tilespmem:s11+$0x18870] =	vst.add.f32.msk $0xffff, v1  }
0x32a: {  	[tilespmem:s1+$0x18980] =	vst.add.f32.msk $0xffff, v3  }
0x32b: {  	v1 =	vld [tilespmem:s26+$0x50]  }
0x32c: {  	[tilespmem:s1+$0x18800] =	vst.add.f32.msk $0xffff, v4  }
0x32d: {  	[tilespmem:s1+$0x18880] =	vst.add.f32.msk $0xffff, v5  }
0x32e: {  	[tilespmem:s1+$0x18900] =	vst.add.f32.msk $0xffff, v6  }
0x32f: {  	v3 =	vld [tilespmem:s25+$0x10]  }
0x330: {  	[tilespmem:s1+$0x18990] =	vst.add.f32.msk $0xffff, v1  }
0x331: {  	v1 =	vld [tilespmem:s26+$0x60]  }
0x332: {  	v4 =	vld [tilespmem:s26+$0xFFFFFF50]  }
0x333: {  	v5 =	vld [tilespmem:s26+$0xFFFFFFD0]  }
0x334: {  	[tilespmem:s1+$0x18810] =	vst.add.f32.msk $0xffff, v3  }
0x335: {  	v3 =	vld [tilespmem:s25+$0x20]  }
0x336: {  	[tilespmem:s1+$0x189A0] =	vst.add.f32.msk $0xffff, v1  }
0x337: {  	v1 =	vld [tilespmem:s26+$0x70]  }
0x338: {  	[tilespmem:s1+$0x18890] =	vst.add.f32.msk $0xffff, v4  }
0x339: {  	[tilespmem:s1+$0x18910] =	vst.add.f32.msk $0xffff, v5  }
0x33a: {  	v4 =	vld [tilespmem:s26+$0xFFFFFF60]  }
0x33b: {  	v5 =	vld [tilespmem:s26+$0xFFFFFFE0]  }
0x33c: {  	[tilespmem:s1+$0x189B0] =	vst.add.f32.msk $0xffff, v1  }
0x33d: {  	v1 =	vld [tilespmem:s26+$0x80]  }
0x33e: {  	[tilespmem:s1+$0x18820] =	vst.add.f32.msk $0xffff, v3  }
0x33f: {  	[tilespmem:s1+$0x188A0] =	vst.add.f32.msk $0xffff, v4  }
0x340: {  	[tilespmem:s1+$0x18920] =	vst.add.f32.msk $0xffff, v5  }
0x341: {  	v3 =	vld [tilespmem:s25+$0x30]  }
0x342: {  	[tilespmem:s1+$0x189C0] =	vst.add.f32.msk $0xffff, v1  }
0x343: {  	v1 =	vld [tilespmem:s26+$0x90]  }
0x344: {  	v4 =	vld [tilespmem:s26+$0xFFFFFF70]  }
0x345: {  	v5 =	vld [tilespmem:s26+$0xFFFFFFF0]  }
0x346: {  	[tilespmem:s1+$0x18830] =	vst.add.f32.msk $0xffff, v3  }
0x347: {  	v3 =	vld [tilespmem:s25+$0x40]  }
0x348: {  	[tilespmem:s1+$0x189D0] =	vst.add.f32.msk $0xffff, v1  }
0x349: {  	v1 =	vld [tilespmem:s26+$0xA0]  }
0x34a: {  	[tilespmem:s1+$0x188B0] =	vst.add.f32.msk $0xffff, v4  }
0x34b: {  	[tilespmem:s1+$0x18930] =	vst.add.f32.msk $0xffff, v5  }
0x34c: {  	v4 =	vld [tilespmem:s26+$0xFFFFFF80]  }
0x34d: {  	v5 =	vld [tilespmem:s26+$0x0]  }
0x34e: {  	[tilespmem:s1+$0x189E0] =	vst.add.f32.msk $0xffff, v1  }
0x34f: {  	v1 =	vld [tilespmem:s26+$0xB0]  }
0x350: {  	[tilespmem:s1+$0x18840] =	vst.add.f32.msk $0xffff, v3  }
0x351: {  	[tilespmem:s1+$0x188C0] =	vst.add.f32.msk $0xffff, v4  }
0x352: {  	[tilespmem:s1+$0x18940] =	vst.add.f32.msk $0xffff, v5  }
0x353: {  	v3 =	vld [tilespmem:s25+$0x50]  }
0x354: {  	[tilespmem:s1+$0x189F0] =	vst.add.f32.msk $0xffff, v1  }
0x355: {  	v4 =	vld [tilespmem:s26+$0xFFFFFF90]  }
0x356: {  	v5 =	vld [tilespmem:s26+$0x10]  }
.Ltmp3:
0x357: {  	[tilespmem:s11+$0x188F0] =	vst.add.f32.msk $0xffff, v2;
	(pc) =	sbr.rel @p0 .LBB2_9-.Ltmp3, $4  }
0x358: {  	[tilespmem:s1+$0x18850] =	vst.add.f32.msk $0xffff, v3  }
0x359: {  	v1 =	vld [tilespmem:s25+$0x60]  }
0x35a: {  	[tilespmem:s1+$0x188D0] =	vst.add.f32.msk $0xffff, v4  }
0x35b: {  	s4 =	sadd.s32 $0x4, s4;
	[tilespmem:s1+$0x18950] =	vst.add.f32.msk $0xffff, v5  }
0x35c: {  	v2 =	vld [tilespmem:s26+$0xFFFFFFA0]  }
0x35d: {  	v3 =	vld [tilespmem:s26+$0x20];
	_ =	sdelay $0x1  }
0x35e: {  	[tilespmem:s1+$0x18860] =	vst.add.f32.msk $0xffff, v1  }
0x35f: {  	v1 =	vld [tilespmem:s25+$0x70]  }
0x360: {  	[tilespmem:s1+$0x188E0] =	vst.add.f32.msk $0xffff, v2  }
0x361: {  	s0 =	sshll.u32 s9, $0xB;
	[tilespmem:s1+$0x18960] =	vst.add.f32.msk $0xffff, v3  }
0x362: {  	s28 =	simm.s32 $0x18800;
	s23 =	sadd.s32 $0x1, s23;
	s8 =	sadd.s32 $0x10000, s8;
	v2 =	vld [tilespmem:s26+$0xFFFFFFB0]  }
0x363: {  	s7 =	sadd.s32 $0x200, s7;
	s10 =	sadd.s32 $0x10000, s10;
	s12 =	sadd.s32 $0x200, s12;
	v3 =	vld [tilespmem:s26+$0x30]  }
0x364: {  	s13 =	sadd.s32 $0x10000, s13;
	s14 =	sadd.s32 $0x200, s14;
	p0 =	sne.s32 s23, $0x32  }
.Ltmp4:
0x365: {  	[tilespmem:s11+$0x18970] =	vst.add.f32.msk $0xffff, v0;
	s15 =	sadd.s32 $0x10000, s15;
	s16 =	sadd.s32 $0x200, s16;
	(pc) =	sbr.rel @p0 .LBB2_2-.Ltmp4, $4  }
0x366: {  	s17 =	sadd.s32 $0x10000, s17;
	s18 =	sadd.s32 $0x200, s18;
	s19 =	sadd.s32 $0x10000, s19;
	[tilespmem:s1+$0x18870] =	vst.add.f32.msk $0xffff, v1  }
0x367: {  	s20 =	sadd.s32 $0x200, s20;
	s21 =	sadd.s32 $0x10000, s21;
	s0 =	sand.u32 $0x1FFFF800, s0;
	[tilespmem:s1+$0x188F0] =	vst.add.f32.msk $0xffff, v2  }
0x368: {  	s22 =	sadd.s32 $0x200, s22;
	s5 =	simm.s32 $0x80;
	s0 =	sadd.s32 s31, s0;
	[tilespmem:s1+$0x18970] =	vst.add.f32.msk $0xffff, v3  }
0x369: {  	[hbm4b:s0+s6] =	stream.linear.scatter [tilespmem:s28], [sflag:$0x8], $0x4000, $0x38;
	[tilespmem:$0x1C800] =	vst v63  }
0x36a: {  	s0 =	simm.s32 $0x5  }
0x36b: {  	_ =	swait.ge [sflag:s0], $0x4000  }
0x36c: {  	[sflag:s0] =	ssyncset.done $0x0  }
0x36d: {  	s25 =	simm.s32 $0x6;
	[sflag:s0] =	ssyncadd.s32 $0xFFFFC000  }
0x36e: {  	_ =	swait.ge [sflag:s25], $0x4000  }
0x36f: {  	[sflag:s25] =	ssyncset.done $0x0  }
0x370: {  	s26 =	simm.s32 $0x7;
	[sflag:s25] =	ssyncadd.s32 $0xFFFFC000  }
0x371: {  	_ =	swait.ge [sflag:s26], $0x4000  }
0x372: {  	[sflag:s26] =	ssyncset.done $0x0  }
0x373: {  	s1 =	simm.s32 $0x8;
	[sflag:s26] =	ssyncadd.s32 $0xFFFFC000  }
0x374: {  	_ =	swait.ge [sflag:s1], $0x4000  }
0x375: {  	s2 =	rddreg [dreg:$0x15]  }
0x376: {  	s29 =	rddreg [dreg:$0x6];
	s2 =	sadd.s32 $0x1, s2  }
0x377: {  	p0 =	sne.s32 s2, s29  }
.Ltmp5:
0x378: {  	_ = 	snop;
	(pc) =	sbr.rel @p0 .LBB2_1-.Ltmp5, $3  }
0x379: {  	_ =	sdelay $0x1  }
0x37a: {  	[sflag:s1] =	ssyncset.done $0x0  }
0x37b: {  	[sflag:s1] =	ssyncadd.s32 $0xFFFFC000  }
0x37c: {  	_ =	sfence.sel $0x180000  }
0x37d: {  	[bflag:$0x0] =	sbarrier.arrive $0xFFFF  }
0x37e: {  	_ =	strace $0x90000047  }
0x37f: {  	s0 =	stileid.u32;
	[bflag:$0x2] =	sbarrier.arrive $0xFFFF  }
0x380: {  	p0 =	sne.s32 s0, $0x0;
	s0 =	rddreg [dreg:$0x4]  }
0x381: {  	s0 =	sadd.s32 @!p0 $0x100000, s0  }
0x382: {  	[sflag:s0] =	ssyncadd.tile.s32 @!p0 $0x1;
	_ =	shalt  }
.Lfunc_end2:
_tile_overlayer_lowered:
.L_overlay_start_2:
0x383: {  	(tag) =	ssettag $0x2  }
0x384: {  	s0 =	rddreg [dreg:$0x0];
	s2 =	stileid.u32  }
0x385: {  	s1 =	rddreg [dreg:$0x1];
	p0 =	sne.s32 s2, $0x0  }
0x386: {  	s3 =	rddreg [dreg:$0x2];
	[bflag:$0x3] =	sbarrier.arrive $0xFFFF;
	s2 =	simm.s32 @!p0 $0x1C09  }
0x387: {  	[timem:s3], [sflag:s2] =	dma.local @!p0 [hbm:s0], s1  }
0x388: {  	s0 =	simm.s32 @!p0 $0x9  }
0x389: {  	_ =	swait.ge @!p0 [sflag:s0], s1  }
0x38a: {  	s1 =	ssub.s32 @!p0 $0x0, s1;
	[sflag:s0] =	ssyncset.done @!p0 $0x0  }
0x38b: {  	[sflag:s0] =	ssyncadd.s32 @!p0 s1  }
0x38c: {  	[bflag:$0x3] =	sbarrier.arrive $0xFFFF  }
0x38d: {  	_ =	shalt  }

</sc_bundles>
